<compile_context>
chip_gen: v7x
topology: tpu7x:2x2x1
jax: 0.10.2.dev20260603
libtpu: 0.0.44.dev20260713+nightly
codegen_flags: <defaults>
</compile_context>

<pallas_src>
import functools
import numpy as np
import jax
import jax.numpy as jnp
from jax import lax
from jax.experimental import pallas as pl
from jax.experimental.pallas import tpu as pltpu
from jax.experimental.pallas import tpu_sc as plsc

_NF = 26
_D = 16
_B = 16384
_TOTAL = _B * _NF
_NW = 32
_PER_W = _TOTAL // _NW
_NCHUNK = 8
_CHUNK = _PER_W // _NCHUNK
_VREGS_W = _PER_W // 16

_FIELD_OFFSETS = np.array((0, *np.cumsum([100000] * _NF)[:-1]), dtype=np.int32)
_OFF_TILE = np.array(
    [[_FIELD_OFFSETS[(16 * j + l) % _NF] for l in range(16)] for j in range(_NF)],
    dtype=np.int32,
).reshape(-1)


def _sc_gather_body(x_hbm, off_hbm, table_hbm, out_hbm, idx_v, off_v, rows_v, sem):
    c = lax.axis_index("c")
    s = lax.axis_index("s")
    wid = s * 2 + c
    base = wid * _PER_W
    pltpu.sync_copy(off_hbm, off_v)
    pltpu.sync_copy(x_hbm.at[pl.ds(base, _PER_W)], idx_v)

    def add_off(j, carry):
        f = lax.rem(j, _NF)
        r = idx_v[pl.ds(j * 16, 16)] + off_v[pl.ds(f * 16, 16)]
        q = ((r & ~8191) + ((r & 1023) << 3)
             + ((r >> 10) & 7))
        idx_v[pl.ds(j * 16, 16)] = q
        return carry

    lax.fori_loop(0, _VREGS_W, add_off, 0)

    for ci in range(_NCHUNK):
        start = ci * _CHUNK
        pltpu.async_copy(
            table_hbm.at[idx_v.at[pl.ds(start, _CHUNK)]], rows_v, sem
        ).wait()
        pltpu.sync_copy(rows_v, out_hbm.at[pl.ds(base + start, _CHUNK)])


@functools.cache
def _make_sc_gather():
    return pl.kernel(
        _sc_gather_body,
        out_type=jax.ShapeDtypeStruct((_TOTAL, _D), jnp.float32),
        mesh=plsc.VectorSubcoreMesh(core_axis_name="c", subcore_axis_name="s"),
        scratch_types=[
            pltpu.VMEM((_PER_W,), jnp.int32),
            pltpu.VMEM((_NF * 16,), jnp.int32),
            pltpu.VMEM((_CHUNK, _D), jnp.float32),
            pltpu.SemaphoreType.DMA,
        ],
        compiler_params=pltpu.CompilerParams(use_tc_tiling_on_sc=False),
    )


_V = 2600000
_TC = 65536
_TG = _TC // 8192
_TNB = (_V + _TC - 1) // _TC
_VG = _TNB * _TC


def _transpose_body(tt_ref, out_ref):
    e = tt_ref[...]
    iota_r = jax.lax.broadcasted_iota(jnp.int32, (_D, 128), 0)
    iota_c = jax.lax.broadcasted_iota(jnp.int32, (_D, 128), 1)
    for g in range(_TG):
        acc = jnp.zeros((1024, 128), jnp.float32)
        for dr in range(8):
            sel = (iota_c == iota_r + dr * 16).astype(jnp.float32)
            c0 = (g * 8 + dr) * 1024
            acc += jax.lax.dot_general(
                e[:, c0:c0 + 1024], sel,
                dimension_numbers=(((0,), (0,)), ((), ())),
                preferred_element_type=jnp.float32,
            )
        out_ref[pl.ds(g * 1024, 1024), :] = acc


def _transpose_table(table_t):
    return pl.pallas_call(
        _transpose_body,
        grid=(_TNB,),
        in_specs=[pl.BlockSpec((_D, _TC), lambda i: (0, i))],
        out_specs=pl.BlockSpec((_TG * 1024, 128), lambda i: (i, 0)),
        out_shape=jax.ShapeDtypeStruct((_TNB * _TG * 1024, 128), jnp.float32),
    )(table_t)


_BLK = 1024
_NB = _B // _BLK


def _mlp_body(emb_ref, W1_ref, b1_ref, g1_ref, be1_ref, W2_ref, b2_ref, g2_ref,
              be2_ref, Wo_ref, bo_ref, out_ref, h1_s, h2_s, s1_s, q1_s):
    i = pl.program_id(0)
    e = emb_ref[...]
    h1 = jnp.dot(e, W1_ref[...], preferred_element_type=jnp.float32) + b1_ref[...]
    h1_s[pl.ds(i * _BLK, _BLK), :] = h1

    @pl.when(i == 0)
    def _():
        s1_s[...] = jnp.zeros_like(s1_s)
        q1_s[...] = jnp.zeros_like(q1_s)

    s1_s[...] += jnp.sum(h1, axis=0, keepdims=True)
    q1_s[...] += jnp.sum(h1 * h1, axis=0, keepdims=True)

    @pl.when(i == _NB - 1)
    def _():
        mu1 = s1_s[...] * (1.0 / _B)
        var1 = q1_s[...] * (1.0 / _B) - mu1 * mu1
        inv1 = lax.rsqrt(var1 + 1e-5) * g1_ref[...]

        def blk2(k, carry):
            s2, q2 = carry
            z = h1_s[pl.ds(k * _BLK, _BLK), :]
            z = jnp.maximum((z - mu1) * inv1 + be1_ref[...], 0.0)
            h2 = jnp.dot(z, W2_ref[...], preferred_element_type=jnp.float32) + b2_ref[...]
            h2_s[pl.ds(k * _BLK, _BLK), :] = h2
            return (s2 + jnp.sum(h2, axis=0, keepdims=True),
                    q2 + jnp.sum(h2 * h2, axis=0, keepdims=True))

        s2, q2 = lax.fori_loop(
            0, _NB, blk2,
            (jnp.zeros((1, 32), jnp.float32), jnp.zeros((1, 32), jnp.float32)),
        )
        mu2 = s2 * (1.0 / _B)
        var2 = q2 * (1.0 / _B) - mu2 * mu2
        inv2 = lax.rsqrt(var2 + 1e-5) * g2_ref[...]

        def blk3(k, carry):
            z = h2_s[pl.ds(k * _BLK, _BLK), :]
            z = jnp.maximum((z - mu2) * inv2 + be2_ref[...], 0.0)
            y = jnp.dot(z, Wo_ref[...], preferred_element_type=jnp.float32) + bo_ref[...]
            out_ref[pl.ds(k * _BLK, _BLK), :] = 1.0 / (1.0 + jnp.exp(-y))
            return carry

        lax.fori_loop(0, _NB, blk3, 0)


def _mlp(emb, W1, b1, g1, be1, W2, b2, g2, be2, Wo, bo):
    full = lambda shape: pl.BlockSpec(shape, lambda i: (0, 0))
    return pl.pallas_call(
        _mlp_body,
        grid=(_NB,),
        in_specs=[
            pl.BlockSpec((_BLK, _NF * _D), lambda i: (i, 0)),
            full(W1.shape), full(b1.shape), full(g1.shape), full(be1.shape),
            full(W2.shape), full(b2.shape), full(g2.shape), full(be2.shape),
            full(Wo.shape), full(bo.shape),
        ],
        out_specs=pl.BlockSpec((_B, 1), lambda i: (0, 0)),
        out_shape=jax.ShapeDtypeStruct((_B, 1), jnp.float32),
        scratch_shapes=[
            pltpu.VMEM((_B, 64), jnp.float32),
            pltpu.VMEM((_B, 32), jnp.float32),
            pltpu.VMEM((1, 64), jnp.float32),
            pltpu.VMEM((1, 64), jnp.float32),
        ],
    )(emb, W1, b1, g1, be1, W2, b2, g2, be2, Wo, bo)


def kernel(x, table, W1, b1, g1, be1, W2, b2, g2, be2, Wo, bo):
    x_flat = x.reshape(-1)
    off_tile = jnp.asarray(_OFF_TILE)
    table_lin = _transpose_table(table.T).reshape(_VG, _D)
    emb = _make_sc_gather()(x_flat, off_tile, table_lin)
    emb = emb.reshape(_B, _NF * _D)
    out = _mlp(
        emb, W1,
        b1.reshape(1, -1), g1.reshape(1, -1), be1.reshape(1, -1),
        W2, b2.reshape(1, -1), g2.reshape(1, -1), be2.reshape(1, -1),
        Wo, bo.reshape(1, -1),
    )
    return out.reshape(_B)

# --- scband reference (transcript-rebuilt; emitter-appended) ---
"""Pipeline reference for scband-factorization-supported-neural-network-model-33904471835609 (READ-ONLY COPY).

The authoritative reference and input builder live on the scoring server;
editing this copy changes nothing except your own understanding.
"""

import jax, jax.numpy as jnp
import numpy as np

FIELD_DIMS = [100000] * 26
EMBED_DIM = 16
FC_DIMS = [64, 32]
OFFSETS = np.array((0, *np.cumsum(FIELD_DIMS)[:-1]), dtype=np.int32)


def setup_inputs(seed: int = 0) -> dict:
    key = jax.random.key(seed)
    ks = jax.random.split(key, 8)
    B = 16384
    n_fields = len(FIELD_DIMS)
    x = jax.random.randint(ks[0], (B, n_fields), 0, 100000, dtype=jnp.int32)
    table = jax.random.normal(ks[1], (sum(FIELD_DIMS), EMBED_DIM), dtype=jnp.float32) * 0.01
    in_dim = n_fields * EMBED_DIM
    W1 = jax.random.normal(ks[2], (in_dim, FC_DIMS[0]), dtype=jnp.float32) * (1.0 / np.sqrt(in_dim))
    b1 = jnp.zeros((FC_DIMS[0],), dtype=jnp.float32)
    g1 = jnp.ones((FC_DIMS[0],), dtype=jnp.float32)
    be1 = jnp.zeros((FC_DIMS[0],), dtype=jnp.float32)
    W2 = jax.random.normal(ks[3], (FC_DIMS[0], FC_DIMS[1]), dtype=jnp.float32) * (1.0 / np.sqrt(FC_DIMS[0]))
    b2 = jnp.zeros((FC_DIMS[1],), dtype=jnp.float32)
    g2 = jnp.ones((FC_DIMS[1],), dtype=jnp.float32)
    be2 = jnp.zeros((FC_DIMS[1],), dtype=jnp.float32)
    Wo = jax.random.normal(ks[4], (FC_DIMS[1], 1), dtype=jnp.float32) * (1.0 / np.sqrt(FC_DIMS[1]))
    bo = jnp.zeros((1,), dtype=jnp.float32)
    return {"x": x, "table": table, "W1": W1, "b1": b1, "g1": g1, "be1": be1,
            "W2": W2, "b2": b2, "g2": g2, "be2": be2, "Wo": Wo, "bo": bo}


def _batchnorm(h, g, b, eps=1e-5):
    mu = jnp.mean(h, axis=0, keepdims=True)
    var = jnp.var(h, axis=0, keepdims=True)
    return (h - mu) / jnp.sqrt(var + eps) * g + b


def reference(x, table, W1, b1, g1, be1, W2, b2, g2, be2, Wo, bo):
    # FeaturesEmbedding: per-field offset then single-table gather
    idx = x + jnp.asarray(OFFSETS)[None, :]
    emb = jnp.take(table, idx, axis=0)  # [B, 26, 16]
    h = emb.reshape(emb.shape[0], -1)   # [B, 416]
    # MLP: Linear -> BatchNorm -> ReLU -> (Dropout=identity in eval)
    h = h @ W1 + b1
    h = jax.nn.relu(_batchnorm(h, g1, be1))
    h = h @ W2 + b2
    h = jax.nn.relu(_batchnorm(h, g2, be2))
    y = h @ Wo + bo  # [B, 1]
    return jax.nn.sigmoid(y).squeeze(1)

if __name__ == "__main__":
    import jax
    _d = setup_inputs()
    print(jax.jit(kernel)(*tuple(_d.values())))

</pallas_src>

<mosaic_0001>
#map = affine_map<(d0, d1) -> (0)>
#map1 = affine_map<(d0, d1) -> (0, 0)>
module attributes {stable_mosaic.version = 14 : i64} {
  func.func @_sc_gather_body(%arg0: i32, %arg1: i32, %arg2: memref<425984xi32, #tpu.memory_space<hbm>>, %arg3: memref<416xi32, #tpu.memory_space<hbm>>, %arg4: memref<2621440x16xf32, #tpu.memory_space<hbm>>, %arg5: memref<425984x16xf32, #tpu.memory_space<hbm>>, %arg6: memref<13312xi32, #tpu.memory_space<vmem>>, %arg7: memref<416xi32, #tpu.memory_space<vmem>>, %arg8: memref<1664x16xf32, #tpu.memory_space<vmem>>, %arg9: memref<!tpu.dma_semaphore, #tpu.memory_space<semaphore_mem>>) attributes {dimension_semantics = [#tpu.dimension_semantics<core_parallel>, #tpu.dimension_semantics<subcore_parallel>], iteration_bounds = array<i64: 2, 16>, scalar_prefetch = 0 : i64, scratch_operands = 4 : i64, tpu.core_type = #tpu.core_type<sc_vector_subcore>, window_params = [{transform_indices = #map}, {transform_indices = #map}, {transform_indices = #map1}, {transform_indices = #map1}]} {
    %mul3A = arith.constant 2 : i32
    %mul3A_0 = arith.muli %arg1, %mul3A : i32
    %add3A = arith.addi %mul3A_0, %arg0 : i32
    %mul3A_1 = arith.constant 13312 : i32
    %mul3A_2 = arith.muli %add3A, %mul3A_1 : i32
    "tpu.region"() ({
      %run_scoped3A = tpu.sem_alloc : memref<!tpu.dma_semaphore, #tpu.memory_space<semaphore_mem>>
      tpu.enqueue_dma source(%arg3 : memref<416xi32, #tpu.memory_space<hbm>>) target(%arg7 : memref<416xi32, #tpu.memory_space<vmem>>) target_semaphore(%run_scoped3A : memref<!tpu.dma_semaphore, #tpu.memory_space<semaphore_mem>>)
      tpu.wait_dma2 semaphore(%run_scoped3A : memref<!tpu.dma_semaphore, #tpu.memory_space<semaphore_mem>>) src(%arg3 : memref<416xi32, #tpu.memory_space<hbm>>) dst(%arg7 : memref<416xi32, #tpu.memory_space<vmem>>)
      tpu.yield
    }) : () -> ()
    "tpu.region"() ({
      %run_scoped3A = tpu.sem_alloc : memref<!tpu.dma_semaphore, #tpu.memory_space<semaphore_mem>>
      %dma_start3A_102 = tpu.memref_slice %arg2[%mul3A_2] : memref<425984xi32, #tpu.memory_space<hbm>> -> memref<13312xi32, #tpu.memory_space<hbm>>
      %dma_start3A_103 = tpu.memref_slice %arg2[%mul3A_2] : memref<425984xi32, #tpu.memory_space<hbm>> -> memref<13312xi32, #tpu.memory_space<hbm>>
      tpu.enqueue_dma source(%dma_start3A_103 : memref<13312xi32, #tpu.memory_space<hbm>>) target(%arg6 : memref<13312xi32, #tpu.memory_space<vmem>>) target_semaphore(%run_scoped3A : memref<!tpu.dma_semaphore, #tpu.memory_space<semaphore_mem>>)
      %dma_wait3A_104 = tpu.memref_slice %arg2[%mul3A_2] : memref<425984xi32, #tpu.memory_space<hbm>> -> memref<13312xi32, #tpu.memory_space<hbm>>
      %dma_wait3A_105 = tpu.memref_slice %arg2[%mul3A_2] : memref<425984xi32, #tpu.memory_space<hbm>> -> memref<13312xi32, #tpu.memory_space<hbm>>
      tpu.wait_dma2 semaphore(%run_scoped3A : memref<!tpu.dma_semaphore, #tpu.memory_space<semaphore_mem>>) src(%dma_wait3A_105 : memref<13312xi32, #tpu.memory_space<hbm>>) dst(%arg6 : memref<13312xi32, #tpu.memory_space<vmem>>)
      tpu.yield
    }) : () -> ()
    %scan3A = arith.constant 0 : i32
    %scan3A_3 = arith.constant 0 : i32
    %scan3A_4 = arith.constant 832 : i32
    %scan3A_5 = arith.addi %scan3A_3, %scan3A_4 : i32
    %scan3A_6 = arith.constant 1 : i32
    scf.for %scan3A_102 = %scan3A_3 to %scan3A_5 step %scan3A_6  : i32 {
      %rem3A = arith.constant 26 : i32
      %rem3A_103 = arith.remsi %scan3A_102, %rem3A : i32
      %mul3A_104 = arith.constant 16 : i32
      %mul3A_105 = arith.muli %scan3A_102, %mul3A_104 : i32
      %get3A = arith.index_cast %mul3A_105 : i32 to index
      %get3A_106 = tpu.vector_load %arg6[%get3A] {strides = array<i32>} : memref<13312xi32, #tpu.memory_space<vmem>>, vector<16xi32>,
      %get3A_107 = vector.shape_cast %get3A_106 : vector<16xi32> to vector<16xi32>
      %mul3A_108 = arith.constant 16 : i32
      %mul3A_109 = arith.muli %rem3A_103, %mul3A_108 : i32
      %get3A_110 = arith.index_cast %mul3A_109 : i32 to index
      %get3A_111 = tpu.vector_load %arg7[%get3A_110] {strides = array<i32>} : memref<416xi32, #tpu.memory_space<vmem>>, vector<16xi32>,
      %get3A_112 = vector.shape_cast %get3A_111 : vector<16xi32> to vector<16xi32>
      %add3A_113 = arith.addi %get3A_107, %get3A_112 : vector<16xi32>
      %and3A = arith.constant -8192 : i32
      %and3A_114 = vector.broadcast %and3A : i32 to vector<16xi32>
      %and3A_115 = arith.andi %add3A_113, %and3A_114 : vector<16xi32>
      %and3A_116 = arith.constant 1023 : i32
      %and3A_117 = vector.broadcast %and3A_116 : i32 to vector<16xi32>
      %and3A_118 = arith.andi %add3A_113, %and3A_117 : vector<16xi32>
      %shift_left3A = arith.constant 3 : i32
      %shift_left3A_119 = vector.broadcast %shift_left3A : i32 to vector<16xi32>
      %shift_left3A_120 = arith.shli %and3A_118, %shift_left3A_119 : vector<16xi32>
      %add3A_121 = arith.addi %and3A_115, %shift_left3A_120 : vector<16xi32>
      %shift_right_arithmetic3A = arith.constant 10 : i32
      %shift_right_arithmetic3A_122 = vector.broadcast %shift_right_arithmetic3A : i32 to vector<16xi32>
      %shift_right_arithmetic3A_123 = arith.shrsi %add3A_113, %shift_right_arithmetic3A_122 : vector<16xi32>
      %and3A_124 = arith.constant 7 : i32
      %and3A_125 = vector.broadcast %and3A_124 : i32 to vector<16xi32>
      %and3A_126 = arith.andi %shift_right_arithmetic3A_123, %and3A_125 : vector<16xi32>
      %add3A_127 = arith.addi %add3A_121, %and3A_126 : vector<16xi32>
      %mul3A_128 = arith.constant 16 : i32
      %mul3A_129 = arith.muli %scan3A_102, %mul3A_128 : i32
      %swap3A = arith.index_cast %mul3A_129 : i32 to index
      %swap3A_130 = tpu.vector_load %arg6[%swap3A] {strides = array<i32>} : memref<13312xi32, #tpu.memory_space<vmem>>, vector<16xi32>,
      %swap3A_131 = vector.shape_cast %swap3A_130 : vector<16xi32> to vector<16xi32>
      %swap3A_132 = vector.shape_cast %add3A_127 : vector<16xi32> to vector<16xi32>
      tpu.vector_store %arg6[%swap3A], %swap3A_132 {strides = array<i32>} : memref<13312xi32, #tpu.memory_space<vmem>>, vector<16xi32>,
    }
    %scan3A_7 = arith.constant 832 : i32
    %dma_start3A = arith.constant 0 : i32
    %dma_start3A_8 = tpu.memref_slice %arg6[%dma_start3A] : memref<13312xi32, #tpu.memory_space<vmem>> -> memref<1664xi32, #tpu.memory_space<vmem>>
    %dma_start3A_9 = arith.constant 0 : i32
    %dma_start3A_10 = arith.constant 0 : i32
    %dma_start3A_11 = tpu.memref_slice %arg4[%dma_start3A_9, %dma_start3A_10] : memref<2621440x16xf32, #tpu.memory_space<hbm>> -> memref<2621440x16xf32, #tpu.memory_space<hbm>>
    tpu.enqueue_indirect_dma source(%dma_start3A_11 : memref<2621440x16xf32, #tpu.memory_space<hbm>>) target(%arg8 : memref<1664x16xf32, #tpu.memory_space<vmem>>) offsets(%dma_start3A_8 : memref<1664xi32, #tpu.memory_space<vmem>>) semaphore(%arg9 : memref<!tpu.dma_semaphore, #tpu.memory_space<semaphore_mem>>)
    %dma_wait3A = arith.constant 0 : i32
    %dma_wait3A_12 = tpu.memref_slice %arg6[%dma_wait3A] : memref<13312xi32, #tpu.memory_space<vmem>> -> memref<1664xi32, #tpu.memory_space<vmem>>
    %dma_wait3A_13 = arith.constant 0 : i32
    %dma_wait3A_14 = arith.constant 0 : i32
    %dma_wait3A_15 = tpu.memref_slice %arg4[%dma_wait3A_13, %dma_wait3A_14] : memref<2621440x16xf32, #tpu.memory_space<hbm>> -> memref<2621440x16xf32, #tpu.memory_space<hbm>>
    tpu.wait_indirect_dma semaphore(%arg9 : memref<!tpu.dma_semaphore, #tpu.memory_space<semaphore_mem>>) src(%dma_wait3A_15 : memref<2621440x16xf32, #tpu.memory_space<hbm>>) dst(%arg8 : memref<1664x16xf32, #tpu.memory_space<vmem>>)
    %add3A_16 = arith.constant 0 : i32
    %add3A_17 = arith.addi %mul3A_2, %add3A_16 : i32
    "tpu.region"() ({
      %run_scoped3A = tpu.sem_alloc : memref<!tpu.dma_semaphore, #tpu.memory_space<semaphore_mem>>
      %dma_start3A_102 = arith.constant 0 : i32
      %dma_start3A_103 = tpu.memref_slice %arg5[%add3A_17, %dma_start3A_102] : memref<425984x16xf32, #tpu.memory_space<hbm>> -> memref<1664x16xf32, #tpu.memory_space<hbm>>
      %dma_start3A_104 = arith.constant 0 : i32
      %dma_start3A_105 = tpu.memref_slice %arg5[%add3A_17, %dma_start3A_104] : memref<425984x16xf32, #tpu.memory_space<hbm>> -> memref<1664x16xf32, #tpu.memory_space<hbm>>
      tpu.enqueue_dma source(%arg8 : memref<1664x16xf32, #tpu.memory_space<vmem>>) target(%dma_start3A_105 : memref<1664x16xf32, #tpu.memory_space<hbm>>) target_semaphore(%run_scoped3A : memref<!tpu.dma_semaphore, #tpu.memory_space<semaphore_mem>>)
      %dma_wait3A_106 = arith.constant 0 : i32
      %dma_wait3A_107 = tpu.memref_slice %arg5[%add3A_17, %dma_wait3A_106] : memref<425984x16xf32, #tpu.memory_space<hbm>> -> memref<1664x16xf32, #tpu.memory_space<hbm>>
      %dma_wait3A_108 = arith.constant 0 : i32
      %dma_wait3A_109 = tpu.memref_slice %arg5[%add3A_17, %dma_wait3A_108] : memref<425984x16xf32, #tpu.memory_space<hbm>> -> memref<1664x16xf32, #tpu.memory_space<hbm>>
      tpu.wait_dma2 semaphore(%run_scoped3A : memref<!tpu.dma_semaphore, #tpu.memory_space<semaphore_mem>>) src(%arg8 : memref<1664x16xf32, #tpu.memory_space<vmem>>) dst(%dma_wait3A_109 : memref<1664x16xf32, #tpu.memory_space<hbm>>)
      tpu.yield
    }) : () -> ()
    %dma_start3A_18 = arith.constant 1664 : i32
    %dma_start3A_19 = tpu.memref_slice %arg6[%dma_start3A_18] : memref<13312xi32, #tpu.memory_space<vmem>> -> memref<1664xi32, #tpu.memory_space<vmem>>
    %dma_start3A_20 = arith.constant 0 : i32
    %dma_start3A_21 = arith.constant 0 : i32
    %dma_start3A_22 = tpu.memref_slice %arg4[%dma_start3A_20, %dma_start3A_21] : memref<2621440x16xf32, #tpu.memory_space<hbm>> -> memref<2621440x16xf32, #tpu.memory_space<hbm>>
    tpu.enqueue_indirect_dma source(%dma_start3A_22 : memref<2621440x16xf32, #tpu.memory_space<hbm>>) target(%arg8 : memref<1664x16xf32, #tpu.memory_space<vmem>>) offsets(%dma_start3A_19 : memref<1664xi32, #tpu.memory_space<vmem>>) semaphore(%arg9 : memref<!tpu.dma_semaphore, #tpu.memory_space<semaphore_mem>>)
    %dma_wait3A_23 = arith.constant 1664 : i32
    %dma_wait3A_24 = tpu.memref_slice %arg6[%dma_wait3A_23] : memref<13312xi32, #tpu.memory_space<vmem>> -> memref<1664xi32, #tpu.memory_space<vmem>>
    %dma_wait3A_25 = arith.constant 0 : i32
    %dma_wait3A_26 = arith.constant 0 : i32
    %dma_wait3A_27 = tpu.memref_slice %arg4[%dma_wait3A_25, %dma_wait3A_26] : memref<2621440x16xf32, #tpu.memory_space<hbm>> -> memref<2621440x16xf32, #tpu.memory_space<hbm>>
    tpu.wait_indirect_dma semaphore(%arg9 : memref<!tpu.dma_semaphore, #tpu.memory_space<semaphore_mem>>) src(%dma_wait3A_27 : memref<2621440x16xf32, #tpu.memory_space<hbm>>) dst(%arg8 : memref<1664x16xf32, #tpu.memory_space<vmem>>)
    %add3A_28 = arith.constant 1664 : i32
    %add3A_29 = arith.addi %mul3A_2, %add3A_28 : i32
    "tpu.region"() ({
      %run_scoped3A = tpu.sem_alloc : memref<!tpu.dma_semaphore, #tpu.memory_space<semaphore_mem>>
      %dma_start3A_102 = arith.constant 0 : i32
      %dma_start3A_103 = tpu.memref_slice %arg5[%add3A_29, %dma_start3A_102] : memref<425984x16xf32, #tpu.memory_space<hbm>> -> memref<1664x16xf32, #tpu.memory_space<hbm>>
      %dma_start3A_104 = arith.constant 0 : i32
      %dma_start3A_105 = tpu.memref_slice %arg5[%add3A_29, %dma_start3A_104] : memref<425984x16xf32, #tpu.memory_space<hbm>> -> memref<1664x16xf32, #tpu.memory_space<hbm>>
      tpu.enqueue_dma source(%arg8 : memref<1664x16xf32, #tpu.memory_space<vmem>>) target(%dma_start3A_105 : memref<1664x16xf32, #tpu.memory_space<hbm>>) target_semaphore(%run_scoped3A : memref<!tpu.dma_semaphore, #tpu.memory_space<semaphore_mem>>)
      %dma_wait3A_106 = arith.constant 0 : i32
      %dma_wait3A_107 = tpu.memref_slice %arg5[%add3A_29, %dma_wait3A_106] : memref<425984x16xf32, #tpu.memory_space<hbm>> -> memref<1664x16xf32, #tpu.memory_space<hbm>>
      %dma_wait3A_108 = arith.constant 0 : i32
      %dma_wait3A_109 = tpu.memref_slice %arg5[%add3A_29, %dma_wait3A_108] : memref<425984x16xf32, #tpu.memory_space<hbm>> -> memref<1664x16xf32, #tpu.memory_space<hbm>>
      tpu.wait_dma2 semaphore(%run_scoped3A : memref<!tpu.dma_semaphore, #tpu.memory_space<semaphore_mem>>) src(%arg8 : memref<1664x16xf32, #tpu.memory_space<vmem>>) dst(%dma_wait3A_109 : memref<1664x16xf32, #tpu.memory_space<hbm>>)
      tpu.yield
    }) : () -> ()
    %dma_start3A_30 = arith.constant 3328 : i32
    %dma_start3A_31 = tpu.memref_slice %arg6[%dma_start3A_30] : memref<13312xi32, #tpu.memory_space<vmem>> -> memref<1664xi32, #tpu.memory_space<vmem>>
    %dma_start3A_32 = arith.constant 0 : i32
    %dma_start3A_33 = arith.constant 0 : i32
    %dma_start3A_34 = tpu.memref_slice %arg4[%dma_start3A_32, %dma_start3A_33] : memref<2621440x16xf32, #tpu.memory_space<hbm>> -> memref<2621440x16xf32, #tpu.memory_space<hbm>>
    tpu.enqueue_indirect_dma source(%dma_start3A_34 : memref<2621440x16xf32, #tpu.memory_space<hbm>>) target(%arg8 : memref<1664x16xf32, #tpu.memory_space<vmem>>) offsets(%dma_start3A_31 : memref<1664xi32, #tpu.memory_space<vmem>>) semaphore(%arg9 : memref<!tpu.dma_semaphore, #tpu.memory_space<semaphore_mem>>)
    %dma_wait3A_35 = arith.constant 3328 : i32
    %dma_wait3A_36 = tpu.memref_slice %arg6[%dma_wait3A_35] : memref<13312xi32, #tpu.memory_space<vmem>> -> memref<1664xi32, #tpu.memory_space<vmem>>
    %dma_wait3A_37 = arith.constant 0 : i32
    %dma_wait3A_38 = arith.constant 0 : i32
    %dma_wait3A_39 = tpu.memref_slice %arg4[%dma_wait3A_37, %dma_wait3A_38] : memref<2621440x16xf32, #tpu.memory_space<hbm>> -> memref<2621440x16xf32, #tpu.memory_space<hbm>>
    tpu.wait_indirect_dma semaphore(%arg9 : memref<!tpu.dma_semaphore, #tpu.memory_space<semaphore_mem>>) src(%dma_wait3A_39 : memref<2621440x16xf32, #tpu.memory_space<hbm>>) dst(%arg8 : memref<1664x16xf32, #tpu.memory_space<vmem>>)
    %add3A_40 = arith.constant 3328 : i32
    %add3A_41 = arith.addi %mul3A_2, %add3A_40 : i32
    "tpu.region"() ({
      %run_scoped3A = tpu.sem_alloc : memref<!tpu.dma_semaphore, #tpu.memory_space<semaphore_mem>>
      %dma_start3A_102 = arith.constant 0 : i32
      %dma_start3A_103 = tpu.memref_slice %arg5[%add3A_41, %dma_start3A_102] : memref<425984x16xf32, #tpu.memory_space<hbm>> -> memref<1664x16xf32, #tpu.memory_space<hbm>>
      %dma_start3A_104 = arith.constant 0 : i32
      %dma_start3A_105 = tpu.memref_slice %arg5[%add3A_41, %dma_start3A_104] : memref<425984x16xf32, #tpu.memory_space<hbm>> -> memref<1664x16xf32, #tpu.memory_space<hbm>>
      tpu.enqueue_dma source(%arg8 : memref<1664x16xf32, #tpu.memory_space<vmem>>) target(%dma_start3A_105 : memref<1664x16xf32, #tpu.memory_space<hbm>>) target_semaphore(%run_scoped3A : memref<!tpu.dma_semaphore, #tpu.memory_space<semaphore_mem>>)
      %dma_wait3A_106 = arith.constant 0 : i32
      %dma_wait3A_107 = tpu.memref_slice %arg5[%add3A_41, %dma_wait3A_106] : memref<425984x16xf32, #tpu.memory_space<hbm>> -> memref<1664x16xf32, #tpu.memory_space<hbm>>
      %dma_wait3A_108 = arith.constant 0 : i32
      %dma_wait3A_109 = tpu.memref_slice %arg5[%add3A_41, %dma_wait3A_108] : memref<425984x16xf32, #tpu.memory_space<hbm>> -> memref<1664x16xf32, #tpu.memory_space<hbm>>
      tpu.wait_dma2 semaphore(%run_scoped3A : memref<!tpu.dma_semaphore, #tpu.memory_space<semaphore_mem>>) src(%arg8 : memref<1664x16xf32, #tpu.memory_space<vmem>>) dst(%dma_wait3A_109 : memref<1664x16xf32, #tpu.memory_space<hbm>>)
      tpu.yield
    }) : () -> ()
    %dma_start3A_42 = arith.constant 4992 : i32
    %dma_start3A_43 = tpu.memref_slice %arg6[%dma_start3A_42] : memref<13312xi32, #tpu.memory_space<vmem>> -> memref<1664xi32, #tpu.memory_space<vmem>>
    %dma_start3A_44 = arith.constant 0 : i32
    %dma_start3A_45 = arith.constant 0 : i32
    %dma_start3A_46 = tpu.memref_slice %arg4[%dma_start3A_44, %dma_start3A_45] : memref<2621440x16xf32, #tpu.memory_space<hbm>> -> memref<2621440x16xf32, #tpu.memory_space<hbm>>
    tpu.enqueue_indirect_dma source(%dma_start3A_46 : memref<2621440x16xf32, #tpu.memory_space<hbm>>) target(%arg8 : memref<1664x16xf32, #tpu.memory_space<vmem>>) offsets(%dma_start3A_43 : memref<1664xi32, #tpu.memory_space<vmem>>) semaphore(%arg9 : memref<!tpu.dma_semaphore, #tpu.memory_space<semaphore_mem>>)
    %dma_wait3A_47 = arith.constant 4992 : i32
    %dma_wait3A_48 = tpu.memref_slice %arg6[%dma_wait3A_47] : memref<13312xi32, #tpu.memory_space<vmem>> -> memref<1664xi32, #tpu.memory_space<vmem>>
    %dma_wait3A_49 = arith.constant 0 : i32
    %dma_wait3A_50 = arith.constant 0 : i32
    %dma_wait3A_51 = tpu.memref_slice %arg4[%dma_wait3A_49, %dma_wait3A_50] : memref<2621440x16xf32, #tpu.memory_space<hbm>> -> memref<2621440x16xf32, #tpu.memory_space<hbm>>
    tpu.wait_indirect_dma semaphore(%arg9 : memref<!tpu.dma_semaphore, #tpu.memory_space<semaphore_mem>>) src(%dma_wait3A_51 : memref<2621440x16xf32, #tpu.memory_space<hbm>>) dst(%arg8 : memref<1664x16xf32, #tpu.memory_space<vmem>>)
    %add3A_52 = arith.constant 4992 : i32
    %add3A_53 = arith.addi %mul3A_2, %add3A_52 : i32
    "tpu.region"() ({
      %run_scoped3A = tpu.sem_alloc : memref<!tpu.dma_semaphore, #tpu.memory_space<semaphore_mem>>
      %dma_start3A_102 = arith.constant 0 : i32
      %dma_start3A_103 = tpu.memref_slice %arg5[%add3A_53, %dma_start3A_102] : memref<425984x16xf32, #tpu.memory_space<hbm>> -> memref<1664x16xf32, #tpu.memory_space<hbm>>
      %dma_start3A_104 = arith.constant 0 : i32
      %dma_start3A_105 = tpu.memref_slice %arg5[%add3A_53, %dma_start3A_104] : memref<425984x16xf32, #tpu.memory_space<hbm>> -> memref<1664x16xf32, #tpu.memory_space<hbm>>
      tpu.enqueue_dma source(%arg8 : memref<1664x16xf32, #tpu.memory_space<vmem>>) target(%dma_start3A_105 : memref<1664x16xf32, #tpu.memory_space<hbm>>) target_semaphore(%run_scoped3A : memref<!tpu.dma_semaphore, #tpu.memory_space<semaphore_mem>>)
      %dma_wait3A_106 = arith.constant 0 : i32
      %dma_wait3A_107 = tpu.memref_slice %arg5[%add3A_53, %dma_wait3A_106] : memref<425984x16xf32, #tpu.memory_space<hbm>> -> memref<1664x16xf32, #tpu.memory_space<hbm>>
      %dma_wait3A_108 = arith.constant 0 : i32
      %dma_wait3A_109 = tpu.memref_slice %arg5[%add3A_53, %dma_wait3A_108] : memref<425984x16xf32, #tpu.memory_space<hbm>> -> memref<1664x16xf32, #tpu.memory_space<hbm>>
      tpu.wait_dma2 semaphore(%run_scoped3A : memref<!tpu.dma_semaphore, #tpu.memory_space<semaphore_mem>>) src(%arg8 : memref<1664x16xf32, #tpu.memory_space<vmem>>) dst(%dma_wait3A_109 : memref<1664x16xf32, #tpu.memory_space<hbm>>)
      tpu.yield
    }) : () -> ()
    %dma_start3A_54 = arith.constant 6656 : i32
    %dma_start3A_55 = tpu.memref_slice %arg6[%dma_start3A_54] : memref<13312xi32, #tpu.memory_space<vmem>> -> memref<1664xi32, #tpu.memory_space<vmem>>
    %dma_start3A_56 = arith.constant 0 : i32
    %dma_start3A_57 = arith.constant 0 : i32
    %dma_start3A_58 = tpu.memref_slice %arg4[%dma_start3A_56, %dma_start3A_57] : memref<2621440x16xf32, #tpu.memory_space<hbm>> -> memref<2621440x16xf32, #tpu.memory_space<hbm>>
    tpu.enqueue_indirect_dma source(%dma_start3A_58 : memref<2621440x16xf32, #tpu.memory_space<hbm>>) target(%arg8 : memref<1664x16xf32, #tpu.memory_space<vmem>>) offsets(%dma_start3A_55 : memref<1664xi32, #tpu.memory_space<vmem>>) semaphore(%arg9 : memref<!tpu.dma_semaphore, #tpu.memory_space<semaphore_mem>>)
    %dma_wait3A_59 = arith.constant 6656 : i32
    %dma_wait3A_60 = tpu.memref_slice %arg6[%dma_wait3A_59] : memref<13312xi32, #tpu.memory_space<vmem>> -> memref<1664xi32, #tpu.memory_space<vmem>>
    %dma_wait3A_61 = arith.constant 0 : i32
    %dma_wait3A_62 = arith.constant 0 : i32
    %dma_wait3A_63 = tpu.memref_slice %arg4[%dma_wait3A_61, %dma_wait3A_62] : memref<2621440x16xf32, #tpu.memory_space<hbm>> -> memref<2621440x16xf32, #tpu.memory_space<hbm>>
    tpu.wait_indirect_dma semaphore(%arg9 : memref<!tpu.dma_semaphore, #tpu.memory_space<semaphore_mem>>) src(%dma_wait3A_63 : memref<2621440x16xf32, #tpu.memory_space<hbm>>) dst(%arg8 : memref<1664x16xf32, #tpu.memory_space<vmem>>)
    %add3A_64 = arith.constant 6656 : i32
    %add3A_65 = arith.addi %mul3A_2, %add3A_64 : i32
    "tpu.region"() ({
      %run_scoped3A = tpu.sem_alloc : memref<!tpu.dma_semaphore, #tpu.memory_space<semaphore_mem>>
      %dma_start3A_102 = arith.constant 0 : i32
      %dma_start3A_103 = tpu.memref_slice %arg5[%add3A_65, %dma_start3A_102] : memref<425984x16xf32, #tpu.memory_space<hbm>> -> memref<1664x16xf32, #tpu.memory_space<hbm>>
      %dma_start3A_104 = arith.constant 0 : i32
      %dma_start3A_105 = tpu.memref_slice %arg5[%add3A_65, %dma_start3A_104] : memref<425984x16xf32, #tpu.memory_space<hbm>> -> memref<1664x16xf32, #tpu.memory_space<hbm>>
      tpu.enqueue_dma source(%arg8 : memref<1664x16xf32, #tpu.memory_space<vmem>>) target(%dma_start3A_105 : memref<1664x16xf32, #tpu.memory_space<hbm>>) target_semaphore(%run_scoped3A : memref<!tpu.dma_semaphore, #tpu.memory_space<semaphore_mem>>)
      %dma_wait3A_106 = arith.constant 0 : i32
      %dma_wait3A_107 = tpu.memref_slice %arg5[%add3A_65, %dma_wait3A_106] : memref<425984x16xf32, #tpu.memory_space<hbm>> -> memref<1664x16xf32, #tpu.memory_space<hbm>>
      %dma_wait3A_108 = arith.constant 0 : i32
      %dma_wait3A_109 = tpu.memref_slice %arg5[%add3A_65, %dma_wait3A_108] : memref<425984x16xf32, #tpu.memory_space<hbm>> -> memref<1664x16xf32, #tpu.memory_space<hbm>>
      tpu.wait_dma2 semaphore(%run_scoped3A : memref<!tpu.dma_semaphore, #tpu.memory_space<semaphore_mem>>) src(%arg8 : memref<1664x16xf32, #tpu.memory_space<vmem>>) dst(%dma_wait3A_109 : memref<1664x16xf32, #tpu.memory_space<hbm>>)
      tpu.yield
    }) : () -> ()
    %dma_start3A_66 = arith.constant 8320 : i32
    %dma_start3A_67 = tpu.memref_slice %arg6[%dma_start3A_66] : memref<13312xi32, #tpu.memory_space<vmem>> -> memref<1664xi32, #tpu.memory_space<vmem>>
    %dma_start3A_68 = arith.constant 0 : i32
    %dma_start3A_69 = arith.constant 0 : i32
    %dma_start3A_70 = tpu.memref_slice %arg4[%dma_start3A_68, %dma_start3A_69] : memref<2621440x16xf32, #tpu.memory_space<hbm>> -> memref<2621440x16xf32, #tpu.memory_space<hbm>>
    tpu.enqueue_indirect_dma source(%dma_start3A_70 : memref<2621440x16xf32, #tpu.memory_space<hbm>>) target(%arg8 : memref<1664x16xf32, #tpu.memory_space<vmem>>) offsets(%dma_start3A_67 : memref<1664xi32, #tpu.memory_space<vmem>>) semaphore(%arg9 : memref<!tpu.dma_semaphore, #tpu.memory_space<semaphore_mem>>)
    %dma_wait3A_71 = arith.constant 8320 : i32
    %dma_wait3A_72 = tpu.memref_slice %arg6[%dma_wait3A_71] : memref<13312xi32, #tpu.memory_space<vmem>> -> memref<1664xi32, #tpu.memory_space<vmem>>
    %dma_wait3A_73 = arith.constant 0 : i32
    %dma_wait3A_74 = arith.constant 0 : i32
    %dma_wait3A_75 = tpu.memref_slice %arg4[%dma_wait3A_73, %dma_wait3A_74] : memref<2621440x16xf32, #tpu.memory_space<hbm>> -> memref<2621440x16xf32, #tpu.memory_space<hbm>>
    tpu.wait_indirect_dma semaphore(%arg9 : memref<!tpu.dma_semaphore, #tpu.memory_space<semaphore_mem>>) src(%dma_wait3A_75 : memref<2621440x16xf32, #tpu.memory_space<hbm>>) dst(%arg8 : memref<1664x16xf32, #tpu.memory_space<vmem>>)
    %add3A_76 = arith.constant 8320 : i32
    %add3A_77 = arith.addi %mul3A_2, %add3A_76 : i32
    "tpu.region"() ({
      %run_scoped3A = tpu.sem_alloc : memref<!tpu.dma_semaphore, #tpu.memory_space<semaphore_mem>>
      %dma_start3A_102 = arith.constant 0 : i32
      %dma_start3A_103 = tpu.memref_slice %arg5[%add3A_77, %dma_start3A_102] : memref<425984x16xf32, #tpu.memory_space<hbm>> -> memref<1664x16xf32, #tpu.memory_space<hbm>>
      %dma_start3A_104 = arith.constant 0 : i32
      %dma_start3A_105 = tpu.memref_slice %arg5[%add3A_77, %dma_start3A_104] : memref<425984x16xf32, #tpu.memory_space<hbm>> -> memref<1664x16xf32, #tpu.memory_space<hbm>>
      tpu.enqueue_dma source(%arg8 : memref<1664x16xf32, #tpu.memory_space<vmem>>) target(%dma_start3A_105 : memref<1664x16xf32, #tpu.memory_space<hbm>>) target_semaphore(%run_scoped3A : memref<!tpu.dma_semaphore, #tpu.memory_space<semaphore_mem>>)
      %dma_wait3A_106 = arith.constant 0 : i32
      %dma_wait3A_107 = tpu.memref_slice %arg5[%add3A_77, %dma_wait3A_106] : memref<425984x16xf32, #tpu.memory_space<hbm>> -> memref<1664x16xf32, #tpu.memory_space<hbm>>
      %dma_wait3A_108 = arith.constant 0 : i32
      %dma_wait3A_109 = tpu.memref_slice %arg5[%add3A_77, %dma_wait3A_108] : memref<425984x16xf32, #tpu.memory_space<hbm>> -> memref<1664x16xf32, #tpu.memory_space<hbm>>
      tpu.wait_dma2 semaphore(%run_scoped3A : memref<!tpu.dma_semaphore, #tpu.memory_space<semaphore_mem>>) src(%arg8 : memref<1664x16xf32, #tpu.memory_space<vmem>>) dst(%dma_wait3A_109 : memref<1664x16xf32, #tpu.memory_space<hbm>>)
      tpu.yield
    }) : () -> ()
    %dma_start3A_78 = arith.constant 9984 : i32
    %dma_start3A_79 = tpu.memref_slice %arg6[%dma_start3A_78] : memref<13312xi32, #tpu.memory_space<vmem>> -> memref<1664xi32, #tpu.memory_space<vmem>>
    %dma_start3A_80 = arith.constant 0 : i32
    %dma_start3A_81 = arith.constant 0 : i32
    %dma_start3A_82 = tpu.memref_slice %arg4[%dma_start3A_80, %dma_start3A_81] : memref<2621440x16xf32, #tpu.memory_space<hbm>> -> memref<2621440x16xf32, #tpu.memory_space<hbm>>
    tpu.enqueue_indirect_dma source(%dma_start3A_82 : memref<2621440x16xf32, #tpu.memory_space<hbm>>) target(%arg8 : memref<1664x16xf32, #tpu.memory_space<vmem>>) offsets(%dma_start3A_79 : memref<1664xi32, #tpu.memory_space<vmem>>) semaphore(%arg9 : memref<!tpu.dma_semaphore, #tpu.memory_space<semaphore_mem>>)
    %dma_wait3A_83 = arith.constant 9984 : i32
    %dma_wait3A_84 = tpu.memref_slice %arg6[%dma_wait3A_83] : memref<13312xi32, #tpu.memory_space<vmem>> -> memref<1664xi32, #tpu.memory_space<vmem>>
    %dma_wait3A_85 = arith.constant 0 : i32
    %dma_wait3A_86 = arith.constant 0 : i32
    %dma_wait3A_87 = tpu.memref_slice %arg4[%dma_wait3A_85, %dma_wait3A_86] : memref<2621440x16xf32, #tpu.memory_space<hbm>> -> memref<2621440x16xf32, #tpu.memory_space<hbm>>
    tpu.wait_indirect_dma semaphore(%arg9 : memref<!tpu.dma_semaphore, #tpu.memory_space<semaphore_mem>>) src(%dma_wait3A_87 : memref<2621440x16xf32, #tpu.memory_space<hbm>>) dst(%arg8 : memref<1664x16xf32, #tpu.memory_space<vmem>>)
    %add3A_88 = arith.constant 9984 : i32
    %add3A_89 = arith.addi %mul3A_2, %add3A_88 : i32
    "tpu.region"() ({
      %run_scoped3A = tpu.sem_alloc : memref<!tpu.dma_semaphore, #tpu.memory_space<semaphore_mem>>
      %dma_start3A_102 = arith.constant 0 : i32
      %dma_start3A_103 = tpu.memref_slice %arg5[%add3A_89, %dma_start3A_102] : memref<425984x16xf32, #tpu.memory_space<hbm>> -> memref<1664x16xf32, #tpu.memory_space<hbm>>
      %dma_start3A_104 = arith.constant 0 : i32
      %dma_start3A_105 = tpu.memref_slice %arg5[%add3A_89, %dma_start3A_104] : memref<425984x16xf32, #tpu.memory_space<hbm>> -> memref<1664x16xf32, #tpu.memory_space<hbm>>
      tpu.enqueue_dma source(%arg8 : memref<1664x16xf32, #tpu.memory_space<vmem>>) target(%dma_start3A_105 : memref<1664x16xf32, #tpu.memory_space<hbm>>) target_semaphore(%run_scoped3A : memref<!tpu.dma_semaphore, #tpu.memory_space<semaphore_mem>>)
      %dma_wait3A_106 = arith.constant 0 : i32
      %dma_wait3A_107 = tpu.memref_slice %arg5[%add3A_89, %dma_wait3A_106] : memref<425984x16xf32, #tpu.memory_space<hbm>> -> memref<1664x16xf32, #tpu.memory_space<hbm>>
      %dma_wait3A_108 = arith.constant 0 : i32
      %dma_wait3A_109 = tpu.memref_slice %arg5[%add3A_89, %dma_wait3A_108] : memref<425984x16xf32, #tpu.memory_space<hbm>> -> memref<1664x16xf32, #tpu.memory_space<hbm>>
      tpu.wait_dma2 semaphore(%run_scoped3A : memref<!tpu.dma_semaphore, #tpu.memory_space<semaphore_mem>>) src(%arg8 : memref<1664x16xf32, #tpu.memory_space<vmem>>) dst(%dma_wait3A_109 : memref<1664x16xf32, #tpu.memory_space<hbm>>)
      tpu.yield
    }) : () -> ()
    %dma_start3A_90 = arith.constant 11648 : i32
    %dma_start3A_91 = tpu.memref_slice %arg6[%dma_start3A_90] : memref<13312xi32, #tpu.memory_space<vmem>> -> memref<1664xi32, #tpu.memory_space<vmem>>
    %dma_start3A_92 = arith.constant 0 : i32
    %dma_start3A_93 = arith.constant 0 : i32
    %dma_start3A_94 = tpu.memref_slice %arg4[%dma_start3A_92, %dma_start3A_93] : memref<2621440x16xf32, #tpu.memory_space<hbm>> -> memref<2621440x16xf32, #tpu.memory_space<hbm>>
    tpu.enqueue_indirect_dma source(%dma_start3A_94 : memref<2621440x16xf32, #tpu.memory_space<hbm>>) target(%arg8 : memref<1664x16xf32, #tpu.memory_space<vmem>>) offsets(%dma_start3A_91 : memref<1664xi32, #tpu.memory_space<vmem>>) semaphore(%arg9 : memref<!tpu.dma_semaphore, #tpu.memory_space<semaphore_mem>>)
    %dma_wait3A_95 = arith.constant 11648 : i32
    %dma_wait3A_96 = tpu.memref_slice %arg6[%dma_wait3A_95] : memref<13312xi32, #tpu.memory_space<vmem>> -> memref<1664xi32, #tpu.memory_space<vmem>>
    %dma_wait3A_97 = arith.constant 0 : i32
    %dma_wait3A_98 = arith.constant 0 : i32
    %dma_wait3A_99 = tpu.memref_slice %arg4[%dma_wait3A_97, %dma_wait3A_98] : memref<2621440x16xf32, #tpu.memory_space<hbm>> -> memref<2621440x16xf32, #tpu.memory_space<hbm>>
    tpu.wait_indirect_dma semaphore(%arg9 : memref<!tpu.dma_semaphore, #tpu.memory_space<semaphore_mem>>) src(%dma_wait3A_99 : memref<2621440x16xf32, #tpu.memory_space<hbm>>) dst(%arg8 : memref<1664x16xf32, #tpu.memory_space<vmem>>)
    %add3A_100 = arith.constant 11648 : i32
    %add3A_101 = arith.addi %mul3A_2, %add3A_100 : i32
    "tpu.region"() ({
      %run_scoped3A = tpu.sem_alloc : memref<!tpu.dma_semaphore, #tpu.memory_space<semaphore_mem>>
      %dma_start3A_102 = arith.constant 0 : i32
      %dma_start3A_103 = tpu.memref_slice %arg5[%add3A_101, %dma_start3A_102] : memref<425984x16xf32, #tpu.memory_space<hbm>> -> memref<1664x16xf32, #tpu.memory_space<hbm>>
      %dma_start3A_104 = arith.constant 0 : i32
      %dma_start3A_105 = tpu.memref_slice %arg5[%add3A_101, %dma_start3A_104] : memref<425984x16xf32, #tpu.memory_space<hbm>> -> memref<1664x16xf32, #tpu.memory_space<hbm>>
      tpu.enqueue_dma source(%arg8 : memref<1664x16xf32, #tpu.memory_space<vmem>>) target(%dma_start3A_105 : memref<1664x16xf32, #tpu.memory_space<hbm>>) target_semaphore(%run_scoped3A : memref<!tpu.dma_semaphore, #tpu.memory_space<semaphore_mem>>)
      %dma_wait3A_106 = arith.constant 0 : i32
      %dma_wait3A_107 = tpu.memref_slice %arg5[%add3A_101, %dma_wait3A_106] : memref<425984x16xf32, #tpu.memory_space<hbm>> -> memref<1664x16xf32, #tpu.memory_space<hbm>>
      %dma_wait3A_108 = arith.constant 0 : i32
      %dma_wait3A_109 = tpu.memref_slice %arg5[%add3A_101, %dma_wait3A_108] : memref<425984x16xf32, #tpu.memory_space<hbm>> -> memref<1664x16xf32, #tpu.memory_space<hbm>>
      tpu.wait_dma2 semaphore(%run_scoped3A : memref<!tpu.dma_semaphore, #tpu.memory_space<semaphore_mem>>) src(%arg8 : memref<1664x16xf32, #tpu.memory_space<vmem>>) dst(%dma_wait3A_109 : memref<1664x16xf32, #tpu.memory_space<hbm>>)
      tpu.yield
    }) : () -> ()
    return
  }
}

module attributes {stable_mosaic.version = 14 : i64} {
  func.func @_transpose_body(%arg0: i32, %arg1: memref<16x65536xf32, #tpu.memory_space<vmem>>, %arg2: memref<8192x128xf32, #tpu.memory_space<vmem>>) attributes {dimension_semantics = [#tpu.dimension_semantics<arbitrary>], iteration_bounds = array<i64: 40>, scalar_prefetch = 0 : i64, scratch_operands = 0 : i64, tpu.core_type = #tpu.core_type<tc>, window_params = [{transform_indices = @transform_0, window_bounds = array<i64: 16, 65536>}, {transform_indices = @transform_1, window_bounds = array<i64: 8192, 128>}]} {
    %get3A = arith.constant 0 : index
    %get3A_0 = arith.constant 0 : index
    %get3A_1 = vector.load %arg1[%get3A, %get3A_0] : memref<16x65536xf32, #tpu.memory_space<vmem>>, vector<16x65536xf32>
    %iota3A = tpu.iota {dimensions = array<i32: 0>} : vector<16x128xi32>
    %iota3A_2 = tpu.iota {dimensions = array<i32: 1>} : vector<16x128xi32>
    %broadcast_in_dim3A = arith.constant 0.000000e+00 : f32
    %broadcast_in_dim3A_3 = vector.broadcast %broadcast_in_dim3A : f32 to vector<1024x128xf32>
    %add3A = arith.constant 0 : i32
    %add3A_4 = vector.broadcast %add3A : i32 to vector<16x128xi32>
    %add3A_5 = arith.addi %iota3A, %add3A_4 : vector<16x128xi32>
    %eq3A = arith.cmpi eq, %iota3A_2, %add3A_5 : vector<16x128xi32>
    %convert_element_type3A = arith.extui %eq3A : vector<16x128xi1> to vector<16x128xi32>
    %convert_element_type3A_6 = arith.sitofp %convert_element_type3A : vector<16x128xi32> to vector<16x128xf32>
    %slice3A = vector.extract_strided_slice %get3A_1 {offsets = [0, 0], sizes = [16, 1024], strides = [1, 1]} : vector<16x65536xf32> to vector<16x1024xf32>
    %dot_general3A = arith.constant dense<0.000000e+00> : vector<1024x128xf32>
    %dot_general3A_7 = tpu.matmul %slice3A, %convert_element_type3A_6, %dot_general3A {dimension_numbers = #tpu.dot_dimension_numbers<[0], [0], [1], [1], [0, 1, 1, 1], [], []>, transpose_lhs_hint = false} : vector<16x1024xf32>, vector<16x128xf32>, vector<1024x128xf32> -> vector<1024x128xf32>
    %add3A_8 = arith.addf %broadcast_in_dim3A_3, %dot_general3A_7 : vector<1024x128xf32>
    %add3A_9 = arith.constant 16 : i32
    %add3A_10 = vector.broadcast %add3A_9 : i32 to vector<16x128xi32>
    %add3A_11 = arith.addi %iota3A, %add3A_10 : vector<16x128xi32>
    %eq3A_12 = arith.cmpi eq, %iota3A_2, %add3A_11 : vector<16x128xi32>
    %convert_element_type3A_13 = arith.extui %eq3A_12 : vector<16x128xi1> to vector<16x128xi32>
    %convert_element_type3A_14 = arith.sitofp %convert_element_type3A_13 : vector<16x128xi32> to vector<16x128xf32>
    %slice3A_15 = vector.extract_strided_slice %get3A_1 {offsets = [0, 1024], sizes = [16, 1024], strides = [1, 1]} : vector<16x65536xf32> to vector<16x1024xf32>
    %dot_general3A_16 = arith.constant dense<0.000000e+00> : vector<1024x128xf32>
    %dot_general3A_17 = tpu.matmul %slice3A_15, %convert_element_type3A_14, %dot_general3A_16 {dimension_numbers = #tpu.dot_dimension_numbers<[0], [0], [1], [1], [0, 1, 1, 1], [], []>, transpose_lhs_hint = false} : vector<16x1024xf32>, vector<16x128xf32>, vector<1024x128xf32> -> vector<1024x128xf32>
    %add3A_18 = arith.addf %add3A_8, %dot_general3A_17 : vector<1024x128xf32>
    %add3A_19 = arith.constant 32 : i32
    %add3A_20 = vector.broadcast %add3A_19 : i32 to vector<16x128xi32>
    %add3A_21 = arith.addi %iota3A, %add3A_20 : vector<16x128xi32>
    %eq3A_22 = arith.cmpi eq, %iota3A_2, %add3A_21 : vector<16x128xi32>
    %convert_element_type3A_23 = arith.extui %eq3A_22 : vector<16x128xi1> to vector<16x128xi32>
    %convert_element_type3A_24 = arith.sitofp %convert_element_type3A_23 : vector<16x128xi32> to vector<16x128xf32>
    %slice3A_25 = vector.extract_strided_slice %get3A_1 {offsets = [0, 2048], sizes = [16, 1024], strides = [1, 1]} : vector<16x65536xf32> to vector<16x1024xf32>
    %dot_general3A_26 = arith.constant dense<0.000000e+00> : vector<1024x128xf32>
    %dot_general3A_27 = tpu.matmul %slice3A_25, %convert_element_type3A_24, %dot_general3A_26 {dimension_numbers = #tpu.dot_dimension_numbers<[0], [0], [1], [1], [0, 1, 1, 1], [], []>, transpose_lhs_hint = false} : vector<16x1024xf32>, vector<16x128xf32>, vector<1024x128xf32> -> vector<1024x128xf32>
    %add3A_28 = arith.addf %add3A_18, %dot_general3A_27 : vector<1024x128xf32>
    %add3A_29 = arith.constant 48 : i32
    %add3A_30 = vector.broadcast %add3A_29 : i32 to vector<16x128xi32>
    %add3A_31 = arith.addi %iota3A, %add3A_30 : vector<16x128xi32>
    %eq3A_32 = arith.cmpi eq, %iota3A_2, %add3A_31 : vector<16x128xi32>
    %convert_element_type3A_33 = arith.extui %eq3A_32 : vector<16x128xi1> to vector<16x128xi32>
    %convert_element_type3A_34 = arith.sitofp %convert_element_type3A_33 : vector<16x128xi32> to vector<16x128xf32>
    %slice3A_35 = vector.extract_strided_slice %get3A_1 {offsets = [0, 3072], sizes = [16, 1024], strides = [1, 1]} : vector<16x65536xf32> to vector<16x1024xf32>
    %dot_general3A_36 = arith.constant dense<0.000000e+00> : vector<1024x128xf32>
    %dot_general3A_37 = tpu.matmul %slice3A_35, %convert_element_type3A_34, %dot_general3A_36 {dimension_numbers = #tpu.dot_dimension_numbers<[0], [0], [1], [1], [0, 1, 1, 1], [], []>, transpose_lhs_hint = false} : vector<16x1024xf32>, vector<16x128xf32>, vector<1024x128xf32> -> vector<1024x128xf32>
    %add3A_38 = arith.addf %add3A_28, %dot_general3A_37 : vector<1024x128xf32>
    %add3A_39 = arith.constant 64 : i32
    %add3A_40 = vector.broadcast %add3A_39 : i32 to vector<16x128xi32>
    %add3A_41 = arith.addi %iota3A, %add3A_40 : vector<16x128xi32>
    %eq3A_42 = arith.cmpi eq, %iota3A_2, %add3A_41 : vector<16x128xi32>
    %convert_element_type3A_43 = arith.extui %eq3A_42 : vector<16x128xi1> to vector<16x128xi32>
    %convert_element_type3A_44 = arith.sitofp %convert_element_type3A_43 : vector<16x128xi32> to vector<16x128xf32>
    %slice3A_45 = vector.extract_strided_slice %get3A_1 {offsets = [0, 4096], sizes = [16, 1024], strides = [1, 1]} : vector<16x65536xf32> to vector<16x1024xf32>
    %dot_general3A_46 = arith.constant dense<0.000000e+00> : vector<1024x128xf32>
    %dot_general3A_47 = tpu.matmul %slice3A_45, %convert_element_type3A_44, %dot_general3A_46 {dimension_numbers = #tpu.dot_dimension_numbers<[0], [0], [1], [1], [0, 1, 1, 1], [], []>, transpose_lhs_hint = false} : vector<16x1024xf32>, vector<16x128xf32>, vector<1024x128xf32> -> vector<1024x128xf32>
    %add3A_48 = arith.addf %add3A_38, %dot_general3A_47 : vector<1024x128xf32>
    %add3A_49 = arith.constant 80 : i32
    %add3A_50 = vector.broadcast %add3A_49 : i32 to vector<16x128xi32>
    %add3A_51 = arith.addi %iota3A, %add3A_50 : vector<16x128xi32>
    %eq3A_52 = arith.cmpi eq, %iota3A_2, %add3A_51 : vector<16x128xi32>
    %convert_element_type3A_53 = arith.extui %eq3A_52 : vector<16x128xi1> to vector<16x128xi32>
    %convert_element_type3A_54 = arith.sitofp %convert_element_type3A_53 : vector<16x128xi32> to vector<16x128xf32>
    %slice3A_55 = vector.extract_strided_slice %get3A_1 {offsets = [0, 5120], sizes = [16, 1024], strides = [1, 1]} : vector<16x65536xf32> to vector<16x1024xf32>
    %dot_general3A_56 = arith.constant dense<0.000000e+00> : vector<1024x128xf32>
    %dot_general3A_57 = tpu.matmul %slice3A_55, %convert_element_type3A_54, %dot_general3A_56 {dimension_numbers = #tpu.dot_dimension_numbers<[0], [0], [1], [1], [0, 1, 1, 1], [], []>, transpose_lhs_hint = false} : vector<16x1024xf32>, vector<16x128xf32>, vector<1024x128xf32> -> vector<1024x128xf32>
    %add3A_58 = arith.addf %add3A_48, %dot_general3A_57 : vector<1024x128xf32>
    %add3A_59 = arith.constant 96 : i32
    %add3A_60 = vector.broadcast %add3A_59 : i32 to vector<16x128xi32>
    %add3A_61 = arith.addi %iota3A, %add3A_60 : vector<16x128xi32>
    %eq3A_62 = arith.cmpi eq, %iota3A_2, %add3A_61 : vector<16x128xi32>
    %convert_element_type3A_63 = arith.extui %eq3A_62 : vector<16x128xi1> to vector<16x128xi32>
    %convert_element_type3A_64 = arith.sitofp %convert_element_type3A_63 : vector<16x128xi32> to vector<16x128xf32>
    %slice3A_65 = vector.extract_strided_slice %get3A_1 {offsets = [0, 6144], sizes = [16, 1024], strides = [1, 1]} : vector<16x65536xf32> to vector<16x1024xf32>
    %dot_general3A_66 = arith.constant dense<0.000000e+00> : vector<1024x128xf32>
    %dot_general3A_67 = tpu.matmul %slice3A_65, %convert_element_type3A_64, %dot_general3A_66 {dimension_numbers = #tpu.dot_dimension_numbers<[0], [0], [1], [1], [0, 1, 1, 1], [], []>, transpose_lhs_hint = false} : vector<16x1024xf32>, vector<16x128xf32>, vector<1024x128xf32> -> vector<1024x128xf32>
    %add3A_68 = arith.addf %add3A_58, %dot_general3A_67 : vector<1024x128xf32>
    %add3A_69 = arith.constant 112 : i32
    %add3A_70 = vector.broadcast %add3A_69 : i32 to vector<16x128xi32>
    %add3A_71 = arith.addi %iota3A, %add3A_70 : vector<16x128xi32>
    %eq3A_72 = arith.cmpi eq, %iota3A_2, %add3A_71 : vector<16x128xi32>
    %convert_element_type3A_73 = arith.extui %eq3A_72 : vector<16x128xi1> to vector<16x128xi32>
    %convert_element_type3A_74 = arith.sitofp %convert_element_type3A_73 : vector<16x128xi32> to vector<16x128xf32>
    %slice3A_75 = vector.extract_strided_slice %get3A_1 {offsets = [0, 7168], sizes = [16, 1024], strides = [1, 1]} : vector<16x65536xf32> to vector<16x1024xf32>
    %dot_general3A_76 = arith.constant dense<0.000000e+00> : vector<1024x128xf32>
    %dot_general3A_77 = tpu.matmul %slice3A_75, %convert_element_type3A_74, %dot_general3A_76 {dimension_numbers = #tpu.dot_dimension_numbers<[0], [0], [1], [1], [0, 1, 1, 1], [], []>, transpose_lhs_hint = false} : vector<16x1024xf32>, vector<16x128xf32>, vector<1024x128xf32> -> vector<1024x128xf32>
    %add3A_78 = arith.addf %add3A_68, %dot_general3A_77 : vector<1024x128xf32>
    %swap3A = arith.constant 0 : index
    %swap3A_79 = arith.constant 0 : index
    %swap3A_80 = vector.load %arg2[%swap3A, %swap3A_79] : memref<8192x128xf32, #tpu.memory_space<vmem>>, vector<1024x128xf32>
    tpu.vector_store %arg2[%swap3A, %swap3A_79], %add3A_78 {strides = array<i32>} : memref<8192x128xf32, #tpu.memory_space<vmem>>, vector<1024x128xf32>,
    %broadcast_in_dim3A_81 = arith.constant 0.000000e+00 : f32
    %broadcast_in_dim3A_82 = vector.broadcast %broadcast_in_dim3A_81 : f32 to vector<1024x128xf32>
    %add3A_83 = arith.constant 0 : i32
    %add3A_84 = vector.broadcast %add3A_83 : i32 to vector<16x128xi32>
    %add3A_85 = arith.addi %iota3A, %add3A_84 : vector<16x128xi32>
    %eq3A_86 = arith.cmpi eq, %iota3A_2, %add3A_85 : vector<16x128xi32>
    %convert_element_type3A_87 = arith.extui %eq3A_86 : vector<16x128xi1> to vector<16x128xi32>
    %convert_element_type3A_88 = arith.sitofp %convert_element_type3A_87 : vector<16x128xi32> to vector<16x128xf32>
    %slice3A_89 = vector.extract_strided_slice %get3A_1 {offsets = [0, 8192], sizes = [16, 1024], strides = [1, 1]} : vector<16x65536xf32> to vector<16x1024xf32>
    %dot_general3A_90 = arith.constant dense<0.000000e+00> : vector<1024x128xf32>
    %dot_general3A_91 = tpu.matmul %slice3A_89, %convert_element_type3A_88, %dot_general3A_90 {dimension_numbers = #tpu.dot_dimension_numbers<[0], [0], [1], [1], [0, 1, 1, 1], [], []>, transpose_lhs_hint = false} : vector<16x1024xf32>, vector<16x128xf32>, vector<1024x128xf32> -> vector<1024x128xf32>
    %add3A_92 = arith.addf %broadcast_in_dim3A_82, %dot_general3A_91 : vector<1024x128xf32>
    %add3A_93 = arith.constant 16 : i32
    %add3A_94 = vector.broadcast %add3A_93 : i32 to vector<16x128xi32>
    %add3A_95 = arith.addi %iota3A, %add3A_94 : vector<16x128xi32>
    %eq3A_96 = arith.cmpi eq, %iota3A_2, %add3A_95 : vector<16x128xi32>
    %convert_element_type3A_97 = arith.extui %eq3A_96 : vector<16x128xi1> to vector<16x128xi32>
    %convert_element_type3A_98 = arith.sitofp %convert_element_type3A_97 : vector<16x128xi32> to vector<16x128xf32>
    %slice3A_99 = vector.extract_strided_slice %get3A_1 {offsets = [0, 9216], sizes = [16, 1024], strides = [1, 1]} : vector<16x65536xf32> to vector<16x1024xf32>
    %dot_general3A_100 = arith.constant dense<0.000000e+00> : vector<1024x128xf32>
    %dot_general3A_101 = tpu.matmul %slice3A_99, %convert_element_type3A_98, %dot_general3A_100 {dimension_numbers = #tpu.dot_dimension_numbers<[0], [0], [1], [1], [0, 1, 1, 1], [], []>, transpose_lhs_hint = false} : vector<16x1024xf32>, vector<16x128xf32>, vector<1024x128xf32> -> vector<1024x128xf32>
    %add3A_102 = arith.addf %add3A_92, %dot_general3A_101 : vector<1024x128xf32>
    %add3A_103 = arith.constant 32 : i32
    %add3A_104 = vector.broadcast %add3A_103 : i32 to vector<16x128xi32>
    %add3A_105 = arith.addi %iota3A, %add3A_104 : vector<16x128xi32>
    %eq3A_106 = arith.cmpi eq, %iota3A_2, %add3A_105 : vector<16x128xi32>
    %convert_element_type3A_107 = arith.extui %eq3A_106 : vector<16x128xi1> to vector<16x128xi32>
    %convert_element_type3A_108 = arith.sitofp %convert_element_type3A_107 : vector<16x128xi32> to vector<16x128xf32>
    %slice3A_109 = vector.extract_strided_slice %get3A_1 {offsets = [0, 10240], sizes = [16, 1024], strides = [1, 1]} : vector<16x65536xf32> to vector<16x1024xf32>
    %dot_general3A_110 = arith.constant dense<0.000000e+00> : vector<1024x128xf32>
    %dot_general3A_111 = tpu.matmul %slice3A_109, %convert_element_type3A_108, %dot_general3A_110 {dimension_numbers = #tpu.dot_dimension_numbers<[0], [0], [1], [1], [0, 1, 1, 1], [], []>, transpose_lhs_hint = false} : vector<16x1024xf32>, vector<16x128xf32>, vector<1024x128xf32> -> vector<1024x128xf32>
    %add3A_112 = arith.addf %add3A_102, %dot_general3A_111 : vector<1024x128xf32>
    %add3A_113 = arith.constant 48 : i32
    %add3A_114 = vector.broadcast %add3A_113 : i32 to vector<16x128xi32>
    %add3A_115 = arith.addi %iota3A, %add3A_114 : vector<16x128xi32>
    %eq3A_116 = arith.cmpi eq, %iota3A_2, %add3A_115 : vector<16x128xi32>
    %convert_element_type3A_117 = arith.extui %eq3A_116 : vector<16x128xi1> to vector<16x128xi32>
    %convert_element_type3A_118 = arith.sitofp %convert_element_type3A_117 : vector<16x128xi32> to vector<16x128xf32>
    %slice3A_119 = vector.extract_strided_slice %get3A_1 {offsets = [0, 11264], sizes = [16, 1024], strides = [1, 1]} : vector<16x65536xf32> to vector<16x1024xf32>
    %dot_general3A_120 = arith.constant dense<0.000000e+00> : vector<1024x128xf32>
    %dot_general3A_121 = tpu.matmul %slice3A_119, %convert_element_type3A_118, %dot_general3A_120 {dimension_numbers = #tpu.dot_dimension_numbers<[0], [0], [1], [1], [0, 1, 1, 1], [], []>, transpose_lhs_hint = false} : vector<16x1024xf32>, vector<16x128xf32>, vector<1024x128xf32> -> vector<1024x128xf32>
    %add3A_122 = arith.addf %add3A_112, %dot_general3A_121 : vector<1024x128xf32>
    %add3A_123 = arith.constant 64 : i32
    %add3A_124 = vector.broadcast %add3A_123 : i32 to vector<16x128xi32>
    %add3A_125 = arith.addi %iota3A, %add3A_124 : vector<16x128xi32>
    %eq3A_126 = arith.cmpi eq, %iota3A_2, %add3A_125 : vector<16x128xi32>
    %convert_element_type3A_127 = arith.extui %eq3A_126 : vector<16x128xi1> to vector<16x128xi32>
    %convert_element_type3A_128 = arith.sitofp %convert_element_type3A_127 : vector<16x128xi32> to vector<16x128xf32>
    %slice3A_129 = vector.extract_strided_slice %get3A_1 {offsets = [0, 12288], sizes = [16, 1024], strides = [1, 1]} : vector<16x65536xf32> to vector<16x1024xf32>
    %dot_general3A_130 = arith.constant dense<0.000000e+00> : vector<1024x128xf32>
    %dot_general3A_131 = tpu.matmul %slice3A_129, %convert_element_type3A_128, %dot_general3A_130 {dimension_numbers = #tpu.dot_dimension_numbers<[0], [0], [1], [1], [0, 1, 1, 1], [], []>, transpose_lhs_hint = false} : vector<16x1024xf32>, vector<16x128xf32>, vector<1024x128xf32> -> vector<1024x128xf32>
    %add3A_132 = arith.addf %add3A_122, %dot_general3A_131 : vector<1024x128xf32>
    %add3A_133 = arith.constant 80 : i32
    %add3A_134 = vector.broadcast %add3A_133 : i32 to vector<16x128xi32>
    %add3A_135 = arith.addi %iota3A, %add3A_134 : vector<16x128xi32>
    %eq3A_136 = arith.cmpi eq, %iota3A_2, %add3A_135 : vector<16x128xi32>
    %convert_element_type3A_137 = arith.extui %eq3A_136 : vector<16x128xi1> to vector<16x128xi32>
    %convert_element_type3A_138 = arith.sitofp %convert_element_type3A_137 : vector<16x128xi32> to vector<16x128xf32>
    %slice3A_139 = vector.extract_strided_slice %get3A_1 {offsets = [0, 13312], sizes = [16, 1024], strides = [1, 1]} : vector<16x65536xf32> to vector<16x1024xf32>
    %dot_general3A_140 = arith.constant dense<0.000000e+00> : vector<1024x128xf32>
    %dot_general3A_141 = tpu.matmul %slice3A_139, %convert_element_type3A_138, %dot_general3A_140 {dimension_numbers = #tpu.dot_dimension_numbers<[0], [0], [1], [1], [0, 1, 1, 1], [], []>, transpose_lhs_hint = false} : vector<16x1024xf32>, vector<16x128xf32>, vector<1024x128xf32> -> vector<1024x128xf32>
    %add3A_142 = arith.addf %add3A_132, %dot_general3A_141 : vector<1024x128xf32>
    %add3A_143 = arith.constant 96 : i32
    %add3A_144 = vector.broadcast %add3A_143 : i32 to vector<16x128xi32>
    %add3A_145 = arith.addi %iota3A, %add3A_144 : vector<16x128xi32>
    %eq3A_146 = arith.cmpi eq, %iota3A_2, %add3A_145 : vector<16x128xi32>
    %convert_element_type3A_147 = arith.extui %eq3A_146 : vector<16x128xi1> to vector<16x128xi32>
    %convert_element_type3A_148 = arith.sitofp %convert_element_type3A_147 : vector<16x128xi32> to vector<16x128xf32>
    %slice3A_149 = vector.extract_strided_slice %get3A_1 {offsets = [0, 14336], sizes = [16, 1024], strides = [1, 1]} : vector<16x65536xf32> to vector<16x1024xf32>
    %dot_general3A_150 = arith.constant dense<0.000000e+00> : vector<1024x128xf32>
    %dot_general3A_151 = tpu.matmul %slice3A_149, %convert_element_type3A_148, %dot_general3A_150 {dimension_numbers = #tpu.dot_dimension_numbers<[0], [0], [1], [1], [0, 1, 1, 1], [], []>, transpose_lhs_hint = false} : vector<16x1024xf32>, vector<16x128xf32>, vector<1024x128xf32> -> vector<1024x128xf32>
    %add3A_152 = arith.addf %add3A_142, %dot_general3A_151 : vector<1024x128xf32>
    %add3A_153 = arith.constant 112 : i32
    %add3A_154 = vector.broadcast %add3A_153 : i32 to vector<16x128xi32>
    %add3A_155 = arith.addi %iota3A, %add3A_154 : vector<16x128xi32>
    %eq3A_156 = arith.cmpi eq, %iota3A_2, %add3A_155 : vector<16x128xi32>
    %convert_element_type3A_157 = arith.extui %eq3A_156 : vector<16x128xi1> to vector<16x128xi32>
    %convert_element_type3A_158 = arith.sitofp %convert_element_type3A_157 : vector<16x128xi32> to vector<16x128xf32>
    %slice3A_159 = vector.extract_strided_slice %get3A_1 {offsets = [0, 15360], sizes = [16, 1024], strides = [1, 1]} : vector<16x65536xf32> to vector<16x1024xf32>
    %dot_general3A_160 = arith.constant dense<0.000000e+00> : vector<1024x128xf32>
    %dot_general3A_161 = tpu.matmul %slice3A_159, %convert_element_type3A_158, %dot_general3A_160 {dimension_numbers = #tpu.dot_dimension_numbers<[0], [0], [1], [1], [0, 1, 1, 1], [], []>, transpose_lhs_hint = false} : vector<16x1024xf32>, vector<16x128xf32>, vector<1024x128xf32> -> vector<1024x128xf32>
    %add3A_162 = arith.addf %add3A_152, %dot_general3A_161 : vector<1024x128xf32>
    %swap3A_163 = arith.constant 1024 : index
    %swap3A_164 = arith.constant 0 : index
    %swap3A_165 = vector.load %arg2[%swap3A_163, %swap3A_164] : memref<8192x128xf32, #tpu.memory_space<vmem>>, vector<1024x128xf32>
    tpu.vector_store %arg2[%swap3A_163, %swap3A_164], %add3A_162 {strides = array<i32>} : memref<8192x128xf32, #tpu.memory_space<vmem>>, vector<1024x128xf32>,
    %broadcast_in_dim3A_166 = arith.constant 0.000000e+00 : f32
    %broadcast_in_dim3A_167 = vector.broadcast %broadcast_in_dim3A_166 : f32 to vector<1024x128xf32>
    %add3A_168 = arith.constant 0 : i32
    %add3A_169 = vector.broadcast %add3A_168 : i32 to vector<16x128xi32>
    %add3A_170 = arith.addi %iota3A, %add3A_169 : vector<16x128xi32>
    %eq3A_171 = arith.cmpi eq, %iota3A_2, %add3A_170 : vector<16x128xi32>
    %convert_element_type3A_172 = arith.extui %eq3A_171 : vector<16x128xi1> to vector<16x128xi32>
    %convert_element_type3A_173 = arith.sitofp %convert_element_type3A_172 : vector<16x128xi32> to vector<16x128xf32>
    %slice3A_174 = vector.extract_strided_slice %get3A_1 {offsets = [0, 16384], sizes = [16, 1024], strides = [1, 1]} : vector<16x65536xf32> to vector<16x1024xf32>
    %dot_general3A_175 = arith.constant dense<0.000000e+00> : vector<1024x128xf32>
    %dot_general3A_176 = tpu.matmul %slice3A_174, %convert_element_type3A_173, %dot_general3A_175 {dimension_numbers = #tpu.dot_dimension_numbers<[0], [0], [1], [1], [0, 1, 1, 1], [], []>, transpose_lhs_hint = false} : vector<16x1024xf32>, vector<16x128xf32>, vector<1024x128xf32> -> vector<1024x128xf32>
    %add3A_177 = arith.addf %broadcast_in_dim3A_167, %dot_general3A_176 : vector<1024x128xf32>
    %add3A_178 = arith.constant 16 : i32
    %add3A_179 = vector.broadcast %add3A_178 : i32 to vector<16x128xi32>
    %add3A_180 = arith.addi %iota3A, %add3A_179 : vector<16x128xi32>
    %eq3A_181 = arith.cmpi eq, %iota3A_2, %add3A_180 : vector<16x128xi32>
    %convert_element_type3A_182 = arith.extui %eq3A_181 : vector<16x128xi1> to vector<16x128xi32>
    %convert_element_type3A_183 = arith.sitofp %convert_element_type3A_182 : vector<16x128xi32> to vector<16x128xf32>
    %slice3A_184 = vector.extract_strided_slice %get3A_1 {offsets = [0, 17408], sizes = [16, 1024], strides = [1, 1]} : vector<16x65536xf32> to vector<16x1024xf32>
    %dot_general3A_185 = arith.constant dense<0.000000e+00> : vector<1024x128xf32>
    %dot_general3A_186 = tpu.matmul %slice3A_184, %convert_element_type3A_183, %dot_general3A_185 {dimension_numbers = #tpu.dot_dimension_numbers<[0], [0], [1], [1], [0, 1, 1, 1], [], []>, transpose_lhs_hint = false} : vector<16x1024xf32>, vector<16x128xf32>, vector<1024x128xf32> -> vector<1024x128xf32>
    %add3A_187 = arith.addf %add3A_177, %dot_general3A_186 : vector<1024x128xf32>
    %add3A_188 = arith.constant 32 : i32
    %add3A_189 = vector.broadcast %add3A_188 : i32 to vector<16x128xi32>
    %add3A_190 = arith.addi %iota3A, %add3A_189 : vector<16x128xi32>
    %eq3A_191 = arith.cmpi eq, %iota3A_2, %add3A_190 : vector<16x128xi32>
    %convert_element_type3A_192 = arith.extui %eq3A_191 : vector<16x128xi1> to vector<16x128xi32>
    %convert_element_type3A_193 = arith.sitofp %convert_element_type3A_192 : vector<16x128xi32> to vector<16x128xf32>
    %slice3A_194 = vector.extract_strided_slice %get3A_1 {offsets = [0, 18432], sizes = [16, 1024], strides = [1, 1]} : vector<16x65536xf32> to vector<16x1024xf32>
    %dot_general3A_195 = arith.constant dense<0.000000e+00> : vector<1024x128xf32>
    %dot_general3A_196 = tpu.matmul %slice3A_194, %convert_element_type3A_193, %dot_general3A_195 {dimension_numbers = #tpu.dot_dimension_numbers<[0], [0], [1], [1], [0, 1, 1, 1], [], []>, transpose_lhs_hint = false} : vector<16x1024xf32>, vector<16x128xf32>, vector<1024x128xf32> -> vector<1024x128xf32>
    %add3A_197 = arith.addf %add3A_187, %dot_general3A_196 : vector<1024x128xf32>
    %add3A_198 = arith.constant 48 : i32
    %add3A_199 = vector.broadcast %add3A_198 : i32 to vector<16x128xi32>
    %add3A_200 = arith.addi %iota3A, %add3A_199 : vector<16x128xi32>
    %eq3A_201 = arith.cmpi eq, %iota3A_2, %add3A_200 : vector<16x128xi32>
    %convert_element_type3A_202 = arith.extui %eq3A_201 : vector<16x128xi1> to vector<16x128xi32>
    %convert_element_type3A_203 = arith.sitofp %convert_element_type3A_202 : vector<16x128xi32> to vector<16x128xf32>
    %slice3A_204 = vector.extract_strided_slice %get3A_1 {offsets = [0, 19456], sizes = [16, 1024], strides = [1, 1]} : vector<16x65536xf32> to vector<16x1024xf32>
    %dot_general3A_205 = arith.constant dense<0.000000e+00> : vector<1024x128xf32>
    %dot_general3A_206 = tpu.matmul %slice3A_204, %convert_element_type3A_203, %dot_general3A_205 {dimension_numbers = #tpu.dot_dimension_numbers<[0], [0], [1], [1], [0, 1, 1, 1], [], []>, transpose_lhs_hint = false} : vector<16x1024xf32>, vector<16x128xf32>, vector<1024x128xf32> -> vector<1024x128xf32>
    %add3A_207 = arith.addf %add3A_197, %dot_general3A_206 : vector<1024x128xf32>
    %add3A_208 = arith.constant 64 : i32
    %add3A_209 = vector.broadcast %add3A_208 : i32 to vector<16x128xi32>
    %add3A_210 = arith.addi %iota3A, %add3A_209 : vector<16x128xi32>
    %eq3A_211 = arith.cmpi eq, %iota3A_2, %add3A_210 : vector<16x128xi32>
    %convert_element_type3A_212 = arith.extui %eq3A_211 : vector<16x128xi1> to vector<16x128xi32>
    %convert_element_type3A_213 = arith.sitofp %convert_element_type3A_212 : vector<16x128xi32> to vector<16x128xf32>
    %slice3A_214 = vector.extract_strided_slice %get3A_1 {offsets = [0, 20480], sizes = [16, 1024], strides = [1, 1]} : vector<16x65536xf32> to vector<16x1024xf32>
    %dot_general3A_215 = arith.constant dense<0.000000e+00> : vector<1024x128xf32>
    %dot_general3A_216 = tpu.matmul %slice3A_214, %convert_element_type3A_213, %dot_general3A_215 {dimension_numbers = #tpu.dot_dimension_numbers<[0], [0], [1], [1], [0, 1, 1, 1], [], []>, transpose_lhs_hint = false} : vector<16x1024xf32>, vector<16x128xf32>, vector<1024x128xf32> -> vector<1024x128xf32>
    %add3A_217 = arith.addf %add3A_207, %dot_general3A_216 : vector<1024x128xf32>
    %add3A_218 = arith.constant 80 : i32
    %add3A_219 = vector.broadcast %add3A_218 : i32 to vector<16x128xi32>
    %add3A_220 = arith.addi %iota3A, %add3A_219 : vector<16x128xi32>
    %eq3A_221 = arith.cmpi eq, %iota3A_2, %add3A_220 : vector<16x128xi32>
    %convert_element_type3A_222 = arith.extui %eq3A_221 : vector<16x128xi1> to vector<16x128xi32>
    %convert_element_type3A_223 = arith.sitofp %convert_element_type3A_222 : vector<16x128xi32> to vector<16x128xf32>
    %slice3A_224 = vector.extract_strided_slice %get3A_1 {offsets = [0, 21504], sizes = [16, 1024], strides = [1, 1]} : vector<16x65536xf32> to vector<16x1024xf32>
    %dot_general3A_225 = arith.constant dense<0.000000e+00> : vector<1024x128xf32>
    %dot_general3A_226 = tpu.matmul %slice3A_224, %convert_element_type3A_223, %dot_general3A_225 {dimension_numbers = #tpu.dot_dimension_numbers<[0], [0], [1], [1], [0, 1, 1, 1], [], []>, transpose_lhs_hint = false} : vector<16x1024xf32>, vector<16x128xf32>, vector<1024x128xf32> -> vector<1024x128xf32>
    %add3A_227 = arith.addf %add3A_217, %dot_general3A_226 : vector<1024x128xf32>
    %add3A_228 = arith.constant 96 : i32
    %add3A_229 = vector.broadcast %add3A_228 : i32 to vector<16x128xi32>
    %add3A_230 = arith.addi %iota3A, %add3A_229 : vector<16x128xi32>
    %eq3A_231 = arith.cmpi eq, %iota3A_2, %add3A_230 : vector<16x128xi32>
    %convert_element_type3A_232 = arith.extui %eq3A_231 : vector<16x128xi1> to vector<16x128xi32>
    %convert_element_type3A_233 = arith.sitofp %convert_element_type3A_232 : vector<16x128xi32> to vector<16x128xf32>
    %slice3A_234 = vector.extract_strided_slice %get3A_1 {offsets = [0, 22528], sizes = [16, 1024], strides = [1, 1]} : vector<16x65536xf32> to vector<16x1024xf32>
    %dot_general3A_235 = arith.constant dense<0.000000e+00> : vector<1024x128xf32>
    %dot_general3A_236 = tpu.matmul %slice3A_234, %convert_element_type3A_233, %dot_general3A_235 {dimension_numbers = #tpu.dot_dimension_numbers<[0], [0], [1], [1], [0, 1, 1, 1], [], []>, transpose_lhs_hint = false} : vector<16x1024xf32>, vector<16x128xf32>, vector<1024x128xf32> -> vector<1024x128xf32>
    %add3A_237 = arith.addf %add3A_227, %dot_general3A_236 : vector<1024x128xf32>
    %add3A_238 = arith.constant 112 : i32
    %add3A_239 = vector.broadcast %add3A_238 : i32 to vector<16x128xi32>
    %add3A_240 = arith.addi %iota3A, %add3A_239 : vector<16x128xi32>
    %eq3A_241 = arith.cmpi eq, %iota3A_2, %add3A_240 : vector<16x128xi32>
    %convert_element_type3A_242 = arith.extui %eq3A_241 : vector<16x128xi1> to vector<16x128xi32>
    %convert_element_type3A_243 = arith.sitofp %convert_element_type3A_242 : vector<16x128xi32> to vector<16x128xf32>
    %slice3A_244 = vector.extract_strided_slice %get3A_1 {offsets = [0, 23552], sizes = [16, 1024], strides = [1, 1]} : vector<16x65536xf32> to vector<16x1024xf32>
    %dot_general3A_245 = arith.constant dense<0.000000e+00> : vector<1024x128xf32>
    %dot_general3A_246 = tpu.matmul %slice3A_244, %convert_element_type3A_243, %dot_general3A_245 {dimension_numbers = #tpu.dot_dimension_numbers<[0], [0], [1], [1], [0, 1, 1, 1], [], []>, transpose_lhs_hint = false} : vector<16x1024xf32>, vector<16x128xf32>, vector<1024x128xf32> -> vector<1024x128xf32>
    %add3A_247 = arith.addf %add3A_237, %dot_general3A_246 : vector<1024x128xf32>
    %swap3A_248 = arith.constant 2048 : index
    %swap3A_249 = arith.constant 0 : index
    %swap3A_250 = vector.load %arg2[%swap3A_248, %swap3A_249] : memref<8192x128xf32, #tpu.memory_space<vmem>>, vector<1024x128xf32>
    tpu.vector_store %arg2[%swap3A_248, %swap3A_249], %add3A_247 {strides = array<i32>} : memref<8192x128xf32, #tpu.memory_space<vmem>>, vector<1024x128xf32>,
    %broadcast_in_dim3A_251 = arith.constant 0.000000e+00 : f32
    %broadcast_in_dim3A_252 = vector.broadcast %broadcast_in_dim3A_251 : f32 to vector<1024x128xf32>
    %add3A_253 = arith.constant 0 : i32
    %add3A_254 = vector.broadcast %add3A_253 : i32 to vector<16x128xi32>
    %add3A_255 = arith.addi %iota3A, %add3A_254 : vector<16x128xi32>
    %eq3A_256 = arith.cmpi eq, %iota3A_2, %add3A_255 : vector<16x128xi32>
    %convert_element_type3A_257 = arith.extui %eq3A_256 : vector<16x128xi1> to vector<16x128xi32>
    %convert_element_type3A_258 = arith.sitofp %convert_element_type3A_257 : vector<16x128xi32> to vector<16x128xf32>
    %slice3A_259 = vector.extract_strided_slice %get3A_1 {offsets = [0, 24576], sizes = [16, 1024], strides = [1, 1]} : vector<16x65536xf32> to vector<16x1024xf32>
    %dot_general3A_260 = arith.constant dense<0.000000e+00> : vector<1024x128xf32>
    %dot_general3A_261 = tpu.matmul %slice3A_259, %convert_element_type3A_258, %dot_general3A_260 {dimension_numbers = #tpu.dot_dimension_numbers<[0], [0], [1], [1], [0, 1, 1, 1], [], []>, transpose_lhs_hint = false} : vector<16x1024xf32>, vector<16x128xf32>, vector<1024x128xf32> -> vector<1024x128xf32>
    %add3A_262 = arith.addf %broadcast_in_dim3A_252, %dot_general3A_261 : vector<1024x128xf32>
    %add3A_263 = arith.constant 16 : i32
    %add3A_264 = vector.broadcast %add3A_263 : i32 to vector<16x128xi32>
    %add3A_265 = arith.addi %iota3A, %add3A_264 : vector<16x128xi32>
    %eq3A_266 = arith.cmpi eq, %iota3A_2, %add3A_265 : vector<16x128xi32>
    %convert_element_type3A_267 = arith.extui %eq3A_266 : vector<16x128xi1> to vector<16x128xi32>
    %convert_element_type3A_268 = arith.sitofp %convert_element_type3A_267 : vector<16x128xi32> to vector<16x128xf32>
    %slice3A_269 = vector.extract_strided_slice %get3A_1 {offsets = [0, 25600], sizes = [16, 1024], strides = [1, 1]} : vector<16x65536xf32> to vector<16x1024xf32>
    %dot_general3A_270 = arith.constant dense<0.000000e+00> : vector<1024x128xf32>
    %dot_general3A_271 = tpu.matmul %slice3A_269, %convert_element_type3A_268, %dot_general3A_270 {dimension_numbers = #tpu.dot_dimension_numbers<[0], [0], [1], [1], [0, 1, 1, 1], [], []>, transpose_lhs_hint = false} : vector<16x1024xf32>, vector<16x128xf32>, vector<1024x128xf32> -> vector<1024x128xf32>
    %add3A_272 = arith.addf %add3A_262, %dot_general3A_271 : vector<1024x128xf32>
    %add3A_273 = arith.constant 32 : i32
    %add3A_274 = vector.broadcast %add3A_273 : i32 to vector<16x128xi32>
    %add3A_275 = arith.addi %iota3A, %add3A_274 : vector<16x128xi32>
    %eq3A_276 = arith.cmpi eq, %iota3A_2, %add3A_275 : vector<16x128xi32>
    %convert_element_type3A_277 = arith.extui %eq3A_276 : vector<16x128xi1> to vector<16x128xi32>
    %convert_element_type3A_278 = arith.sitofp %convert_element_type3A_277 : vector<16x128xi32> to vector<16x128xf32>
    %slice3A_279 = vector.extract_strided_slice %get3A_1 {offsets = [0, 26624], sizes = [16, 1024], strides = [1, 1]} : vector<16x65536xf32> to vector<16x1024xf32>
    %dot_general3A_280 = arith.constant dense<0.000000e+00> : vector<1024x128xf32>
    %dot_general3A_281 = tpu.matmul %slice3A_279, %convert_element_type3A_278, %dot_general3A_280 {dimension_numbers = #tpu.dot_dimension_numbers<[0], [0], [1], [1], [0, 1, 1, 1], [], []>, transpose_lhs_hint = false} : vector<16x1024xf32>, vector<16x128xf32>, vector<1024x128xf32> -> vector<1024x128xf32>
    %add3A_282 = arith.addf %add3A_272, %dot_general3A_281 : vector<1024x128xf32>
    %add3A_283 = arith.constant 48 : i32
    %add3A_284 = vector.broadcast %add3A_283 : i32 to vector<16x128xi32>
    %add3A_285 = arith.addi %iota3A, %add3A_284 : vector<16x128xi32>
    %eq3A_286 = arith.cmpi eq, %iota3A_2, %add3A_285 : vector<16x128xi32>
    %convert_element_type3A_287 = arith.extui %eq3A_286 : vector<16x128xi1> to vector<16x128xi32>
    %convert_element_type3A_288 = arith.sitofp %convert_element_type3A_287 : vector<16x128xi32> to vector<16x128xf32>
    %slice3A_289 = vector.extract_strided_slice %get3A_1 {offsets = [0, 27648], sizes = [16, 1024], strides = [1, 1]} : vector<16x65536xf32> to vector<16x1024xf32>
    %dot_general3A_290 = arith.constant dense<0.000000e+00> : vector<1024x128xf32>
    %dot_general3A_291 = tpu.matmul %slice3A_289, %convert_element_type3A_288, %dot_general3A_290 {dimension_numbers = #tpu.dot_dimension_numbers<[0], [0], [1], [1], [0, 1, 1, 1], [], []>, transpose_lhs_hint = false} : vector<16x1024xf32>, vector<16x128xf32>, vector<1024x128xf32> -> vector<1024x128xf32>
    %add3A_292 = arith.addf %add3A_282, %dot_general3A_291 : vector<1024x128xf32>
    %add3A_293 = arith.constant 64 : i32
    %add3A_294 = vector.broadcast %add3A_293 : i32 to vector<16x128xi32>
    %add3A_295 = arith.addi %iota3A, %add3A_294 : vector<16x128xi32>
    %eq3A_296 = arith.cmpi eq, %iota3A_2, %add3A_295 : vector<16x128xi32>
    %convert_element_type3A_297 = arith.extui %eq3A_296 : vector<16x128xi1> to vector<16x128xi32>
    %convert_element_type3A_298 = arith.sitofp %convert_element_type3A_297 : vector<16x128xi32> to vector<16x128xf32>
    %slice3A_299 = vector.extract_strided_slice %get3A_1 {offsets = [0, 28672], sizes = [16, 1024], strides = [1, 1]} : vector<16x65536xf32> to vector<16x1024xf32>
    %dot_general3A_300 = arith.constant dense<0.000000e+00> : vector<1024x128xf32>
    %dot_general3A_301 = tpu.matmul %slice3A_299, %convert_element_type3A_298, %dot_general3A_300 {dimension_numbers = #tpu.dot_dimension_numbers<[0], [0], [1], [1], [0, 1, 1, 1], [], []>, transpose_lhs_hint = false} : vector<16x1024xf32>, vector<16x128xf32>, vector<1024x128xf32> -> vector<1024x128xf32>
    %add3A_302 = arith.addf %add3A_292, %dot_general3A_301 : vector<1024x128xf32>
    %add3A_303 = arith.constant 80 : i32
    %add3A_304 = vector.broadcast %add3A_303 : i32 to vector<16x128xi32>
    %add3A_305 = arith.addi %iota3A, %add3A_304 : vector<16x128xi32>
    %eq3A_306 = arith.cmpi eq, %iota3A_2, %add3A_305 : vector<16x128xi32>
    %convert_element_type3A_307 = arith.extui %eq3A_306 : vector<16x128xi1> to vector<16x128xi32>
    %convert_element_type3A_308 = arith.sitofp %convert_element_type3A_307 : vector<16x128xi32> to vector<16x128xf32>
    %slice3A_309 = vector.extract_strided_slice %get3A_1 {offsets = [0, 29696], sizes = [16, 1024], strides = [1, 1]} : vector<16x65536xf32> to vector<16x1024xf32>
    %dot_general3A_310 = arith.constant dense<0.000000e+00> : vector<1024x128xf32>
    %dot_general3A_311 = tpu.matmul %slice3A_309, %convert_element_type3A_308, %dot_general3A_310 {dimension_numbers = #tpu.dot_dimension_numbers<[0], [0], [1], [1], [0, 1, 1, 1], [], []>, transpose_lhs_hint = false} : vector<16x1024xf32>, vector<16x128xf32>, vector<1024x128xf32> -> vector<1024x128xf32>
    %add3A_312 = arith.addf %add3A_302, %dot_general3A_311 : vector<1024x128xf32>
    %add3A_313 = arith.constant 96 : i32
    %add3A_314 = vector.broadcast %add3A_313 : i32 to vector<16x128xi32>
    %add3A_315 = arith.addi %iota3A, %add3A_314 : vector<16x128xi32>
    %eq3A_316 = arith.cmpi eq, %iota3A_2, %add3A_315 : vector<16x128xi32>
    %convert_element_type3A_317 = arith.extui %eq3A_316 : vector<16x128xi1> to vector<16x128xi32>
    %convert_element_type3A_318 = arith.sitofp %convert_element_type3A_317 : vector<16x128xi32> to vector<16x128xf32>
    %slice3A_319 = vector.extract_strided_slice %get3A_1 {offsets = [0, 30720], sizes = [16, 1024], strides = [1, 1]} : vector<16x65536xf32> to vector<16x1024xf32>
    %dot_general3A_320 = arith.constant dense<0.000000e+00> : vector<1024x128xf32>
    %dot_general3A_321 = tpu.matmul %slice3A_319, %convert_element_type3A_318, %dot_general3A_320 {dimension_numbers = #tpu.dot_dimension_numbers<[0], [0], [1], [1], [0, 1, 1, 1], [], []>, transpose_lhs_hint = false} : vector<16x1024xf32>, vector<16x128xf32>, vector<1024x128xf32> -> vector<1024x128xf32>
    %add3A_322 = arith.addf %add3A_312, %dot_general3A_321 : vector<1024x128xf32>
    %add3A_323 = arith.constant 112 : i32
    %add3A_324 = vector.broadcast %add3A_323 : i32 to vector<16x128xi32>
    %add3A_325 = arith.addi %iota3A, %add3A_324 : vector<16x128xi32>
    %eq3A_326 = arith.cmpi eq, %iota3A_2, %add3A_325 : vector<16x128xi32>
    %convert_element_type3A_327 = arith.extui %eq3A_326 : vector<16x128xi1> to vector<16x128xi32>
    %convert_element_type3A_328 = arith.sitofp %convert_element_type3A_327 : vector<16x128xi32> to vector<16x128xf32>
    %slice3A_329 = vector.extract_strided_slice %get3A_1 {offsets = [0, 31744], sizes = [16, 1024], strides = [1, 1]} : vector<16x65536xf32> to vector<16x1024xf32>
    %dot_general3A_330 = arith.constant dense<0.000000e+00> : vector<1024x128xf32>
    %dot_general3A_331 = tpu.matmul %slice3A_329, %convert_element_type3A_328, %dot_general3A_330 {dimension_numbers = #tpu.dot_dimension_numbers<[0], [0], [1], [1], [0, 1, 1, 1], [], []>, transpose_lhs_hint = false} : vector<16x1024xf32>, vector<16x128xf32>, vector<1024x128xf32> -> vector<1024x128xf32>
    %add3A_332 = arith.addf %add3A_322, %dot_general3A_331 : vector<1024x128xf32>
    %swap3A_333 = arith.constant 3072 : index
    %swap3A_334 = arith.constant 0 : index
    %swap3A_335 = vector.load %arg2[%swap3A_333, %swap3A_334] : memref<8192x128xf32, #tpu.memory_space<vmem>>, vector<1024x128xf32>
    tpu.vector_store %arg2[%swap3A_333, %swap3A_334], %add3A_332 {strides = array<i32>} : memref<8192x128xf32, #tpu.memory_space<vmem>>, vector<1024x128xf32>,
    %broadcast_in_dim3A_336 = arith.constant 0.000000e+00 : f32
    %broadcast_in_dim3A_337 = vector.broadcast %broadcast_in_dim3A_336 : f32 to vector<1024x128xf32>
    %add3A_338 = arith.constant 0 : i32
    %add3A_339 = vector.broadcast %add3A_338 : i32 to vector<16x128xi32>
    %add3A_340 = arith.addi %iota3A, %add3A_339 : vector<16x128xi32>
    %eq3A_341 = arith.cmpi eq, %iota3A_2, %add3A_340 : vector<16x128xi32>
    %convert_element_type3A_342 = arith.extui %eq3A_341 : vector<16x128xi1> to vector<16x128xi32>
    %convert_element_type3A_343 = arith.sitofp %convert_element_type3A_342 : vector<16x128xi32> to vector<16x128xf32>
    %slice3A_344 = vector.extract_strided_slice %get3A_1 {offsets = [0, 32768], sizes = [16, 1024], strides = [1, 1]} : vector<16x65536xf32> to vector<16x1024xf32>
    %dot_general3A_345 = arith.constant dense<0.000000e+00> : vector<1024x128xf32>
    %dot_general3A_346 = tpu.matmul %slice3A_344, %convert_element_type3A_343, %dot_general3A_345 {dimension_numbers = #tpu.dot_dimension_numbers<[0], [0], [1], [1], [0, 1, 1, 1], [], []>, transpose_lhs_hint = false} : vector<16x1024xf32>, vector<16x128xf32>, vector<1024x128xf32> -> vector<1024x128xf32>
    %add3A_347 = arith.addf %broadcast_in_dim3A_337, %dot_general3A_346 : vector<1024x128xf32>
    %add3A_348 = arith.constant 16 : i32
    %add3A_349 = vector.broadcast %add3A_348 : i32 to vector<16x128xi32>
    %add3A_350 = arith.addi %iota3A, %add3A_349 : vector<16x128xi32>
    %eq3A_351 = arith.cmpi eq, %iota3A_2, %add3A_350 : vector<16x128xi32>
    %convert_element_type3A_352 = arith.extui %eq3A_351 : vector<16x128xi1> to vector<16x128xi32>
    %convert_element_type3A_353 = arith.sitofp %convert_element_type3A_352 : vector<16x128xi32> to vector<16x128xf32>
    %slice3A_354 = vector.extract_strided_slice %get3A_1 {offsets = [0, 33792], sizes = [16, 1024], strides = [1, 1]} : vector<16x65536xf32> to vector<16x1024xf32>
    %dot_general3A_355 = arith.constant dense<0.000000e+00> : vector<1024x128xf32>
    %dot_general3A_356 = tpu.matmul %slice3A_354, %convert_element_type3A_353, %dot_general3A_355 {dimension_numbers = #tpu.dot_dimension_numbers<[0], [0], [1], [1], [0, 1, 1, 1], [], []>, transpose_lhs_hint = false} : vector<16x1024xf32>, vector<16x128xf32>, vector<1024x128xf32> -> vector<1024x128xf32>
    %add3A_357 = arith.addf %add3A_347, %dot_general3A_356 : vector<1024x128xf32>
    %add3A_358 = arith.constant 32 : i32
    %add3A_359 = vector.broadcast %add3A_358 : i32 to vector<16x128xi32>
    %add3A_360 = arith.addi %iota3A, %add3A_359 : vector<16x128xi32>
    %eq3A_361 = arith.cmpi eq, %iota3A_2, %add3A_360 : vector<16x128xi32>
    %convert_element_type3A_362 = arith.extui %eq3A_361 : vector<16x128xi1> to vector<16x128xi32>
    %convert_element_type3A_363 = arith.sitofp %convert_element_type3A_362 : vector<16x128xi32> to vector<16x128xf32>
    %slice3A_364 = vector.extract_strided_slice %get3A_1 {offsets = [0, 34816], sizes = [16, 1024], strides = [1, 1]} : vector<16x65536xf32> to vector<16x1024xf32>
    %dot_general3A_365 = arith.constant dense<0.000000e+00> : vector<1024x128xf32>
    %dot_general3A_366 = tpu.matmul %slice3A_364, %convert_element_type3A_363, %dot_general3A_365 {dimension_numbers = #tpu.dot_dimension_numbers<[0], [0], [1], [1], [0, 1, 1, 1], [], []>, transpose_lhs_hint = false} : vector<16x1024xf32>, vector<16x128xf32>, vector<1024x128xf32> -> vector<1024x128xf32>
    %add3A_367 = arith.addf %add3A_357, %dot_general3A_366 : vector<1024x128xf32>
    %add3A_368 = arith.constant 48 : i32
    %add3A_369 = vector.broadcast %add3A_368 : i32 to vector<16x128xi32>
    %add3A_370 = arith.addi %iota3A, %add3A_369 : vector<16x128xi32>
    %eq3A_371 = arith.cmpi eq, %iota3A_2, %add3A_370 : vector<16x128xi32>
    %convert_element_type3A_372 = arith.extui %eq3A_371 : vector<16x128xi1> to vector<16x128xi32>
    %convert_element_type3A_373 = arith.sitofp %convert_element_type3A_372 : vector<16x128xi32> to vector<16x128xf32>
    %slice3A_374 = vector.extract_strided_slice %get3A_1 {offsets = [0, 35840], sizes = [16, 1024], strides = [1, 1]} : vector<16x65536xf32> to vector<16x1024xf32>
    %dot_general3A_375 = arith.constant dense<0.000000e+00> : vector<1024x128xf32>
    %dot_general3A_376 = tpu.matmul %slice3A_374, %convert_element_type3A_373, %dot_general3A_375 {dimension_numbers = #tpu.dot_dimension_numbers<[0], [0], [1], [1], [0, 1, 1, 1], [], []>, transpose_lhs_hint = false} : vector<16x1024xf32>, vector<16x128xf32>, vector<1024x128xf32> -> vector<1024x128xf32>
    %add3A_377 = arith.addf %add3A_367, %dot_general3A_376 : vector<1024x128xf32>
    %add3A_378 = arith.constant 64 : i32
    %add3A_379 = vector.broadcast %add3A_378 : i32 to vector<16x128xi32>
    %add3A_380 = arith.addi %iota3A, %add3A_379 : vector<16x128xi32>
    %eq3A_381 = arith.cmpi eq, %iota3A_2, %add3A_380 : vector<16x128xi32>
    %convert_element_type3A_382 = arith.extui %eq3A_381 : vector<16x128xi1> to vector<16x128xi32>
    %convert_element_type3A_383 = arith.sitofp %convert_element_type3A_382 : vector<16x128xi32> to vector<16x128xf32>
    %slice3A_384 = vector.extract_strided_slice %get3A_1 {offsets = [0, 36864], sizes = [16, 1024], strides = [1, 1]} : vector<16x65536xf32> to vector<16x1024xf32>
    %dot_general3A_385 = arith.constant dense<0.000000e+00> : vector<1024x128xf32>
    %dot_general3A_386 = tpu.matmul %slice3A_384, %convert_element_type3A_383, %dot_general3A_385 {dimension_numbers = #tpu.dot_dimension_numbers<[0], [0], [1], [1], [0, 1, 1, 1], [], []>, transpose_lhs_hint = false} : vector<16x1024xf32>, vector<16x128xf32>, vector<1024x128xf32> -> vector<1024x128xf32>
    %add3A_387 = arith.addf %add3A_377, %dot_general3A_386 : vector<1024x128xf32>
    %add3A_388 = arith.constant 80 : i32
    %add3A_389 = vector.broadcast %add3A_388 : i32 to vector<16x128xi32>
    %add3A_390 = arith.addi %iota3A, %add3A_389 : vector<16x128xi32>
    %eq3A_391 = arith.cmpi eq, %iota3A_2, %add3A_390 : vector<16x128xi32>
    %convert_element_type3A_392 = arith.extui %eq3A_391 : vector<16x128xi1> to vector<16x128xi32>
    %convert_element_type3A_393 = arith.sitofp %convert_element_type3A_392 : vector<16x128xi32> to vector<16x128xf32>
    %slice3A_394 = vector.extract_strided_slice %get3A_1 {offsets = [0, 37888], sizes = [16, 1024], strides = [1, 1]} : vector<16x65536xf32> to vector<16x1024xf32>
    %dot_general3A_395 = arith.constant dense<0.000000e+00> : vector<1024x128xf32>
    %dot_general3A_396 = tpu.matmul %slice3A_394, %convert_element_type3A_393, %dot_general3A_395 {dimension_numbers = #tpu.dot_dimension_numbers<[0], [0], [1], [1], [0, 1, 1, 1], [], []>, transpose_lhs_hint = false} : vector<16x1024xf32>, vector<16x128xf32>, vector<1024x128xf32> -> vector<1024x128xf32>
    %add3A_397 = arith.addf %add3A_387, %dot_general3A_396 : vector<1024x128xf32>
    %add3A_398 = arith.constant 96 : i32
    %add3A_399 = vector.broadcast %add3A_398 : i32 to vector<16x128xi32>
    %add3A_400 = arith.addi %iota3A, %add3A_399 : vector<16x128xi32>
    %eq3A_401 = arith.cmpi eq, %iota3A_2, %add3A_400 : vector<16x128xi32>
    %convert_element_type3A_402 = arith.extui %eq3A_401 : vector<16x128xi1> to vector<16x128xi32>
    %convert_element_type3A_403 = arith.sitofp %convert_element_type3A_402 : vector<16x128xi32> to vector<16x128xf32>
    %slice3A_404 = vector.extract_strided_slice %get3A_1 {offsets = [0, 38912], sizes = [16, 1024], strides = [1, 1]} : vector<16x65536xf32> to vector<16x1024xf32>
    %dot_general3A_405 = arith.constant dense<0.000000e+00> : vector<1024x128xf32>
    %dot_general3A_406 = tpu.matmul %slice3A_404, %convert_element_type3A_403, %dot_general3A_405 {dimension_numbers = #tpu.dot_dimension_numbers<[0], [0], [1], [1], [0, 1, 1, 1], [], []>, transpose_lhs_hint = false} : vector<16x1024xf32>, vector<16x128xf32>, vector<1024x128xf32> -> vector<1024x128xf32>
    %add3A_407 = arith.addf %add3A_397, %dot_general3A_406 : vector<1024x128xf32>
    %add3A_408 = arith.constant 112 : i32
    %add3A_409 = vector.broadcast %add3A_408 : i32 to vector<16x128xi32>
    %add3A_410 = arith.addi %iota3A, %add3A_409 : vector<16x128xi32>
    %eq3A_411 = arith.cmpi eq, %iota3A_2, %add3A_410 : vector<16x128xi32>
    %convert_element_type3A_412 = arith.extui %eq3A_411 : vector<16x128xi1> to vector<16x128xi32>
    %convert_element_type3A_413 = arith.sitofp %convert_element_type3A_412 : vector<16x128xi32> to vector<16x128xf32>
    %slice3A_414 = vector.extract_strided_slice %get3A_1 {offsets = [0, 39936], sizes = [16, 1024], strides = [1, 1]} : vector<16x65536xf32> to vector<16x1024xf32>
    %dot_general3A_415 = arith.constant dense<0.000000e+00> : vector<1024x128xf32>
    %dot_general3A_416 = tpu.matmul %slice3A_414, %convert_element_type3A_413, %dot_general3A_415 {dimension_numbers = #tpu.dot_dimension_numbers<[0], [0], [1], [1], [0, 1, 1, 1], [], []>, transpose_lhs_hint = false} : vector<16x1024xf32>, vector<16x128xf32>, vector<1024x128xf32> -> vector<1024x128xf32>
    %add3A_417 = arith.addf %add3A_407, %dot_general3A_416 : vector<1024x128xf32>
    %swap3A_418 = arith.constant 4096 : index
    %swap3A_419 = arith.constant 0 : index
    %swap3A_420 = vector.load %arg2[%swap3A_418, %swap3A_419] : memref<8192x128xf32, #tpu.memory_space<vmem>>, vector<1024x128xf32>
    tpu.vector_store %arg2[%swap3A_418, %swap3A_419], %add3A_417 {strides = array<i32>} : memref<8192x128xf32, #tpu.memory_space<vmem>>, vector<1024x128xf32>,
    %broadcast_in_dim3A_421 = arith.constant 0.000000e+00 : f32
    %broadcast_in_dim3A_422 = vector.broadcast %broadcast_in_dim3A_421 : f32 to vector<1024x128xf32>
    %add3A_423 = arith.constant 0 : i32
    %add3A_424 = vector.broadcast %add3A_423 : i32 to vector<16x128xi32>
    %add3A_425 = arith.addi %iota3A, %add3A_424 : vector<16x128xi32>
    %eq3A_426 = arith.cmpi eq, %iota3A_2, %add3A_425 : vector<16x128xi32>
    %convert_element_type3A_427 = arith.extui %eq3A_426 : vector<16x128xi1> to vector<16x128xi32>
    %convert_element_type3A_428 = arith.sitofp %convert_element_type3A_427 : vector<16x128xi32> to vector<16x128xf32>
    %slice3A_429 = vector.extract_strided_slice %get3A_1 {offsets = [0, 40960], sizes = [16, 1024], strides = [1, 1]} : vector<16x65536xf32> to vector<16x1024xf32>
    %dot_general3A_430 = arith.constant dense<0.000000e+00> : vector<1024x128xf32>
    %dot_general3A_431 = tpu.matmul %slice3A_429, %convert_element_type3A_428, %dot_general3A_430 {dimension_numbers = #tpu.dot_dimension_numbers<[0], [0], [1], [1], [0, 1, 1, 1], [], []>, transpose_lhs_hint = false} : vector<16x1024xf32>, vector<16x128xf32>, vector<1024x128xf32> -> vector<1024x128xf32>
    %add3A_432 = arith.addf %broadcast_in_dim3A_422, %dot_general3A_431 : vector<1024x128xf32>
    %add3A_433 = arith.constant 16 : i32
    %add3A_434 = vector.broadcast %add3A_433 : i32 to vector<16x128xi32>
    %add3A_435 = arith.addi %iota3A, %add3A_434 : vector<16x128xi32>
    %eq3A_436 = arith.cmpi eq, %iota3A_2, %add3A_435 : vector<16x128xi32>
    %convert_element_type3A_437 = arith.extui %eq3A_436 : vector<16x128xi1> to vector<16x128xi32>
    %convert_element_type3A_438 = arith.sitofp %convert_element_type3A_437 : vector<16x128xi32> to vector<16x128xf32>
    %slice3A_439 = vector.extract_strided_slice %get3A_1 {offsets = [0, 41984], sizes = [16, 1024], strides = [1, 1]} : vector<16x65536xf32> to vector<16x1024xf32>
    %dot_general3A_440 = arith.constant dense<0.000000e+00> : vector<1024x128xf32>
    %dot_general3A_441 = tpu.matmul %slice3A_439, %convert_element_type3A_438, %dot_general3A_440 {dimension_numbers = #tpu.dot_dimension_numbers<[0], [0], [1], [1], [0, 1, 1, 1], [], []>, transpose_lhs_hint = false} : vector<16x1024xf32>, vector<16x128xf32>, vector<1024x128xf32> -> vector<1024x128xf32>
    %add3A_442 = arith.addf %add3A_432, %dot_general3A_441 : vector<1024x128xf32>
    %add3A_443 = arith.constant 32 : i32
    %add3A_444 = vector.broadcast %add3A_443 : i32 to vector<16x128xi32>
    %add3A_445 = arith.addi %iota3A, %add3A_444 : vector<16x128xi32>
    %eq3A_446 = arith.cmpi eq, %iota3A_2, %add3A_445 : vector<16x128xi32>
    %convert_element_type3A_447 = arith.extui %eq3A_446 : vector<16x128xi1> to vector<16x128xi32>
    %convert_element_type3A_448 = arith.sitofp %convert_element_type3A_447 : vector<16x128xi32> to vector<16x128xf32>
    %slice3A_449 = vector.extract_strided_slice %get3A_1 {offsets = [0, 43008], sizes = [16, 1024], strides = [1, 1]} : vector<16x65536xf32> to vector<16x1024xf32>
    %dot_general3A_450 = arith.constant dense<0.000000e+00> : vector<1024x128xf32>
    %dot_general3A_451 = tpu.matmul %slice3A_449, %convert_element_type3A_448, %dot_general3A_450 {dimension_numbers = #tpu.dot_dimension_numbers<[0], [0], [1], [1], [0, 1, 1, 1], [], []>, transpose_lhs_hint = false} : vector<16x1024xf32>, vector<16x128xf32>, vector<1024x128xf32> -> vector<1024x128xf32>
    %add3A_452 = arith.addf %add3A_442, %dot_general3A_451 : vector<1024x128xf32>
    %add3A_453 = arith.constant 48 : i32
    %add3A_454 = vector.broadcast %add3A_453 : i32 to vector<16x128xi32>
    %add3A_455 = arith.addi %iota3A, %add3A_454 : vector<16x128xi32>
    %eq3A_456 = arith.cmpi eq, %iota3A_2, %add3A_455 : vector<16x128xi32>
    %convert_element_type3A_457 = arith.extui %eq3A_456 : vector<16x128xi1> to vector<16x128xi32>
    %convert_element_type3A_458 = arith.sitofp %convert_element_type3A_457 : vector<16x128xi32> to vector<16x128xf32>
    %slice3A_459 = vector.extract_strided_slice %get3A_1 {offsets = [0, 44032], sizes = [16, 1024], strides = [1, 1]} : vector<16x65536xf32> to vector<16x1024xf32>
    %dot_general3A_460 = arith.constant dense<0.000000e+00> : vector<1024x128xf32>
    %dot_general3A_461 = tpu.matmul %slice3A_459, %convert_element_type3A_458, %dot_general3A_460 {dimension_numbers = #tpu.dot_dimension_numbers<[0], [0], [1], [1], [0, 1, 1, 1], [], []>, transpose_lhs_hint = false} : vector<16x1024xf32>, vector<16x128xf32>, vector<1024x128xf32> -> vector<1024x128xf32>
    %add3A_462 = arith.addf %add3A_452, %dot_general3A_461 : vector<1024x128xf32>
    %add3A_463 = arith.constant 64 : i32
    %add3A_464 = vector.broadcast %add3A_463 : i32 to vector<16x128xi32>
    %add3A_465 = arith.addi %iota3A, %add3A_464 : vector<16x128xi32>
    %eq3A_466 = arith.cmpi eq, %iota3A_2, %add3A_465 : vector<16x128xi32>
    %convert_element_type3A_467 = arith.extui %eq3A_466 : vector<16x128xi1> to vector<16x128xi32>
    %convert_element_type3A_468 = arith.sitofp %convert_element_type3A_467 : vector<16x128xi32> to vector<16x128xf32>
    %slice3A_469 = vector.extract_strided_slice %get3A_1 {offsets = [0, 45056], sizes = [16, 1024], strides = [1, 1]} : vector<16x65536xf32> to vector<16x1024xf32>
    %dot_general3A_470 = arith.constant dense<0.000000e+00> : vector<1024x128xf32>
    %dot_general3A_471 = tpu.matmul %slice3A_469, %convert_element_type3A_468, %dot_general3A_470 {dimension_numbers = #tpu.dot_dimension_numbers<[0], [0], [1], [1], [0, 1, 1, 1], [], []>, transpose_lhs_hint = false} : vector<16x1024xf32>, vector<16x128xf32>, vector<1024x128xf32> -> vector<1024x128xf32>
    %add3A_472 = arith.addf %add3A_462, %dot_general3A_471 : vector<1024x128xf32>
    %add3A_473 = arith.constant 80 : i32
    %add3A_474 = vector.broadcast %add3A_473 : i32 to vector<16x128xi32>
    %add3A_475 = arith.addi %iota3A, %add3A_474 : vector<16x128xi32>
    %eq3A_476 = arith.cmpi eq, %iota3A_2, %add3A_475 : vector<16x128xi32>
    %convert_element_type3A_477 = arith.extui %eq3A_476 : vector<16x128xi1> to vector<16x128xi32>
    %convert_element_type3A_478 = arith.sitofp %convert_element_type3A_477 : vector<16x128xi32> to vector<16x128xf32>
    %slice3A_479 = vector.extract_strided_slice %get3A_1 {offsets = [0, 46080], sizes = [16, 1024], strides = [1, 1]} : vector<16x65536xf32> to vector<16x1024xf32>
    %dot_general3A_480 = arith.constant dense<0.000000e+00> : vector<1024x128xf32>
    %dot_general3A_481 = tpu.matmul %slice3A_479, %convert_element_type3A_478, %dot_general3A_480 {dimension_numbers = #tpu.dot_dimension_numbers<[0], [0], [1], [1], [0, 1, 1, 1], [], []>, transpose_lhs_hint = false} : vector<16x1024xf32>, vector<16x128xf32>, vector<1024x128xf32> -> vector<1024x128xf32>
    %add3A_482 = arith.addf %add3A_472, %dot_general3A_481 : vector<1024x128xf32>
    %add3A_483 = arith.constant 96 : i32
    %add3A_484 = vector.broadcast %add3A_483 : i32 to vector<16x128xi32>
    %add3A_485 = arith.addi %iota3A, %add3A_484 : vector<16x128xi32>
    %eq3A_486 = arith.cmpi eq, %iota3A_2, %add3A_485 : vector<16x128xi32>
    %convert_element_type3A_487 = arith.extui %eq3A_486 : vector<16x128xi1> to vector<16x128xi32>
    %convert_element_type3A_488 = arith.sitofp %convert_element_type3A_487 : vector<16x128xi32> to vector<16x128xf32>
    %slice3A_489 = vector.extract_strided_slice %get3A_1 {offsets = [0, 47104], sizes = [16, 1024], strides = [1, 1]} : vector<16x65536xf32> to vector<16x1024xf32>
    %dot_general3A_490 = arith.constant dense<0.000000e+00> : vector<1024x128xf32>
    %dot_general3A_491 = tpu.matmul %slice3A_489, %convert_element_type3A_488, %dot_general3A_490 {dimension_numbers = #tpu.dot_dimension_numbers<[0], [0], [1], [1], [0, 1, 1, 1], [], []>, transpose_lhs_hint = false} : vector<16x1024xf32>, vector<16x128xf32>, vector<1024x128xf32> -> vector<1024x128xf32>
    %add3A_492 = arith.addf %add3A_482, %dot_general3A_491 : vector<1024x128xf32>
    %add3A_493 = arith.constant 112 : i32
    %add3A_494 = vector.broadcast %add3A_493 : i32 to vector<16x128xi32>
    %add3A_495 = arith.addi %iota3A, %add3A_494 : vector<16x128xi32>
    %eq3A_496 = arith.cmpi eq, %iota3A_2, %add3A_495 : vector<16x128xi32>
    %convert_element_type3A_497 = arith.extui %eq3A_496 : vector<16x128xi1> to vector<16x128xi32>
    %convert_element_type3A_498 = arith.sitofp %convert_element_type3A_497 : vector<16x128xi32> to vector<16x128xf32>
    %slice3A_499 = vector.extract_strided_slice %get3A_1 {offsets = [0, 48128], sizes = [16, 1024], strides = [1, 1]} : vector<16x65536xf32> to vector<16x1024xf32>
    %dot_general3A_500 = arith.constant dense<0.000000e+00> : vector<1024x128xf32>
    %dot_general3A_501 = tpu.matmul %slice3A_499, %convert_element_type3A_498, %dot_general3A_500 {dimension_numbers = #tpu.dot_dimension_numbers<[0], [0], [1], [1], [0, 1, 1, 1], [], []>, transpose_lhs_hint = false} : vector<16x1024xf32>, vector<16x128xf32>, vector<1024x128xf32> -> vector<1024x128xf32>
    %add3A_502 = arith.addf %add3A_492, %dot_general3A_501 : vector<1024x128xf32>
    %swap3A_503 = arith.constant 5120 : index
    %swap3A_504 = arith.constant 0 : index
    %swap3A_505 = vector.load %arg2[%swap3A_503, %swap3A_504] : memref<8192x128xf32, #tpu.memory_space<vmem>>, vector<1024x128xf32>
    tpu.vector_store %arg2[%swap3A_503, %swap3A_504], %add3A_502 {strides = array<i32>} : memref<8192x128xf32, #tpu.memory_space<vmem>>, vector<1024x128xf32>,
    %broadcast_in_dim3A_506 = arith.constant 0.000000e+00 : f32
    %broadcast_in_dim3A_507 = vector.broadcast %broadcast_in_dim3A_506 : f32 to vector<1024x128xf32>
    %add3A_508 = arith.constant 0 : i32
    %add3A_509 = vector.broadcast %add3A_508 : i32 to vector<16x128xi32>
    %add3A_510 = arith.addi %iota3A, %add3A_509 : vector<16x128xi32>
    %eq3A_511 = arith.cmpi eq, %iota3A_2, %add3A_510 : vector<16x128xi32>
    %convert_element_type3A_512 = arith.extui %eq3A_511 : vector<16x128xi1> to vector<16x128xi32>
    %convert_element_type3A_513 = arith.sitofp %convert_element_type3A_512 : vector<16x128xi32> to vector<16x128xf32>
    %slice3A_514 = vector.extract_strided_slice %get3A_1 {offsets = [0, 49152], sizes = [16, 1024], strides = [1, 1]} : vector<16x65536xf32> to vector<16x1024xf32>
    %dot_general3A_515 = arith.constant dense<0.000000e+00> : vector<1024x128xf32>
    %dot_general3A_516 = tpu.matmul %slice3A_514, %convert_element_type3A_513, %dot_general3A_515 {dimension_numbers = #tpu.dot_dimension_numbers<[0], [0], [1], [1], [0, 1, 1, 1], [], []>, transpose_lhs_hint = false} : vector<16x1024xf32>, vector<16x128xf32>, vector<1024x128xf32> -> vector<1024x128xf32>
    %add3A_517 = arith.addf %broadcast_in_dim3A_507, %dot_general3A_516 : vector<1024x128xf32>
    %add3A_518 = arith.constant 16 : i32
    %add3A_519 = vector.broadcast %add3A_518 : i32 to vector<16x128xi32>
    %add3A_520 = arith.addi %iota3A, %add3A_519 : vector<16x128xi32>
    %eq3A_521 = arith.cmpi eq, %iota3A_2, %add3A_520 : vector<16x128xi32>
    %convert_element_type3A_522 = arith.extui %eq3A_521 : vector<16x128xi1> to vector<16x128xi32>
    %convert_element_type3A_523 = arith.sitofp %convert_element_type3A_522 : vector<16x128xi32> to vector<16x128xf32>
    %slice3A_524 = vector.extract_strided_slice %get3A_1 {offsets = [0, 50176], sizes = [16, 1024], strides = [1, 1]} : vector<16x65536xf32> to vector<16x1024xf32>
    %dot_general3A_525 = arith.constant dense<0.000000e+00> : vector<1024x128xf32>
    %dot_general3A_526 = tpu.matmul %slice3A_524, %convert_element_type3A_523, %dot_general3A_525 {dimension_numbers = #tpu.dot_dimension_numbers<[0], [0], [1], [1], [0, 1, 1, 1], [], []>, transpose_lhs_hint = false} : vector<16x1024xf32>, vector<16x128xf32>, vector<1024x128xf32> -> vector<1024x128xf32>
    %add3A_527 = arith.addf %add3A_517, %dot_general3A_526 : vector<1024x128xf32>
    %add3A_528 = arith.constant 32 : i32
    %add3A_529 = vector.broadcast %add3A_528 : i32 to vector<16x128xi32>
    %add3A_530 = arith.addi %iota3A, %add3A_529 : vector<16x128xi32>
    %eq3A_531 = arith.cmpi eq, %iota3A_2, %add3A_530 : vector<16x128xi32>
    %convert_element_type3A_532 = arith.extui %eq3A_531 : vector<16x128xi1> to vector<16x128xi32>
    %convert_element_type3A_533 = arith.sitofp %convert_element_type3A_532 : vector<16x128xi32> to vector<16x128xf32>
    %slice3A_534 = vector.extract_strided_slice %get3A_1 {offsets = [0, 51200], sizes = [16, 1024], strides = [1, 1]} : vector<16x65536xf32> to vector<16x1024xf32>
    %dot_general3A_535 = arith.constant dense<0.000000e+00> : vector<1024x128xf32>
    %dot_general3A_536 = tpu.matmul %slice3A_534, %convert_element_type3A_533, %dot_general3A_535 {dimension_numbers = #tpu.dot_dimension_numbers<[0], [0], [1], [1], [0, 1, 1, 1], [], []>, transpose_lhs_hint = false} : vector<16x1024xf32>, vector<16x128xf32>, vector<1024x128xf32> -> vector<1024x128xf32>
    %add3A_537 = arith.addf %add3A_527, %dot_general3A_536 : vector<1024x128xf32>
    %add3A_538 = arith.constant 48 : i32
    %add3A_539 = vector.broadcast %add3A_538 : i32 to vector<16x128xi32>
    %add3A_540 = arith.addi %iota3A, %add3A_539 : vector<16x128xi32>
    %eq3A_541 = arith.cmpi eq, %iota3A_2, %add3A_540 : vector<16x128xi32>
    %convert_element_type3A_542 = arith.extui %eq3A_541 : vector<16x128xi1> to vector<16x128xi32>
    %convert_element_type3A_543 = arith.sitofp %convert_element_type3A_542 : vector<16x128xi32> to vector<16x128xf32>
    %slice3A_544 = vector.extract_strided_slice %get3A_1 {offsets = [0, 52224], sizes = [16, 1024], strides = [1, 1]} : vector<16x65536xf32> to vector<16x1024xf32>
    %dot_general3A_545 = arith.constant dense<0.000000e+00> : vector<1024x128xf32>
    %dot_general3A_546 = tpu.matmul %slice3A_544, %convert_element_type3A_543, %dot_general3A_545 {dimension_numbers = #tpu.dot_dimension_numbers<[0], [0], [1], [1], [0, 1, 1, 1], [], []>, transpose_lhs_hint = false} : vector<16x1024xf32>, vector<16x128xf32>, vector<1024x128xf32> -> vector<1024x128xf32>
    %add3A_547 = arith.addf %add3A_537, %dot_general3A_546 : vector<1024x128xf32>
    %add3A_548 = arith.constant 64 : i32
    %add3A_549 = vector.broadcast %add3A_548 : i32 to vector<16x128xi32>
    %add3A_550 = arith.addi %iota3A, %add3A_549 : vector<16x128xi32>
    %eq3A_551 = arith.cmpi eq, %iota3A_2, %add3A_550 : vector<16x128xi32>
    %convert_element_type3A_552 = arith.extui %eq3A_551 : vector<16x128xi1> to vector<16x128xi32>
    %convert_element_type3A_553 = arith.sitofp %convert_element_type3A_552 : vector<16x128xi32> to vector<16x128xf32>
    %slice3A_554 = vector.extract_strided_slice %get3A_1 {offsets = [0, 53248], sizes = [16, 1024], strides = [1, 1]} : vector<16x65536xf32> to vector<16x1024xf32>
    %dot_general3A_555 = arith.constant dense<0.000000e+00> : vector<1024x128xf32>
    %dot_general3A_556 = tpu.matmul %slice3A_554, %convert_element_type3A_553, %dot_general3A_555 {dimension_numbers = #tpu.dot_dimension_numbers<[0], [0], [1], [1], [0, 1, 1, 1], [], []>, transpose_lhs_hint = false} : vector<16x1024xf32>, vector<16x128xf32>, vector<1024x128xf32> -> vector<1024x128xf32>
    %add3A_557 = arith.addf %add3A_547, %dot_general3A_556 : vector<1024x128xf32>
    %add3A_558 = arith.constant 80 : i32
    %add3A_559 = vector.broadcast %add3A_558 : i32 to vector<16x128xi32>
    %add3A_560 = arith.addi %iota3A, %add3A_559 : vector<16x128xi32>
    %eq3A_561 = arith.cmpi eq, %iota3A_2, %add3A_560 : vector<16x128xi32>
    %convert_element_type3A_562 = arith.extui %eq3A_561 : vector<16x128xi1> to vector<16x128xi32>
    %convert_element_type3A_563 = arith.sitofp %convert_element_type3A_562 : vector<16x128xi32> to vector<16x128xf32>
    %slice3A_564 = vector.extract_strided_slice %get3A_1 {offsets = [0, 54272], sizes = [16, 1024], strides = [1, 1]} : vector<16x65536xf32> to vector<16x1024xf32>
    %dot_general3A_565 = arith.constant dense<0.000000e+00> : vector<1024x128xf32>
    %dot_general3A_566 = tpu.matmul %slice3A_564, %convert_element_type3A_563, %dot_general3A_565 {dimension_numbers = #tpu.dot_dimension_numbers<[0], [0], [1], [1], [0, 1, 1, 1], [], []>, transpose_lhs_hint = false} : vector<16x1024xf32>, vector<16x128xf32>, vector<1024x128xf32> -> vector<1024x128xf32>
    %add3A_567 = arith.addf %add3A_557, %dot_general3A_566 : vector<1024x128xf32>
    %add3A_568 = arith.constant 96 : i32
    %add3A_569 = vector.broadcast %add3A_568 : i32 to vector<16x128xi32>
    %add3A_570 = arith.addi %iota3A, %add3A_569 : vector<16x128xi32>
    %eq3A_571 = arith.cmpi eq, %iota3A_2, %add3A_570 : vector<16x128xi32>
    %convert_element_type3A_572 = arith.extui %eq3A_571 : vector<16x128xi1> to vector<16x128xi32>
    %convert_element_type3A_573 = arith.sitofp %convert_element_type3A_572 : vector<16x128xi32> to vector<16x128xf32>
    %slice3A_574 = vector.extract_strided_slice %get3A_1 {offsets = [0, 55296], sizes = [16, 1024], strides = [1, 1]} : vector<16x65536xf32> to vector<16x1024xf32>
    %dot_general3A_575 = arith.constant dense<0.000000e+00> : vector<1024x128xf32>
    %dot_general3A_576 = tpu.matmul %slice3A_574, %convert_element_type3A_573, %dot_general3A_575 {dimension_numbers = #tpu.dot_dimension_numbers<[0], [0], [1], [1], [0, 1, 1, 1], [], []>, transpose_lhs_hint = false} : vector<16x1024xf32>, vector<16x128xf32>, vector<1024x128xf32> -> vector<1024x128xf32>
    %add3A_577 = arith.addf %add3A_567, %dot_general3A_576 : vector<1024x128xf32>
    %add3A_578 = arith.constant 112 : i32
    %add3A_579 = vector.broadcast %add3A_578 : i32 to vector<16x128xi32>
    %add3A_580 = arith.addi %iota3A, %add3A_579 : vector<16x128xi32>
    %eq3A_581 = arith.cmpi eq, %iota3A_2, %add3A_580 : vector<16x128xi32>
    %convert_element_type3A_582 = arith.extui %eq3A_581 : vector<16x128xi1> to vector<16x128xi32>
    %convert_element_type3A_583 = arith.sitofp %convert_element_type3A_582 : vector<16x128xi32> to vector<16x128xf32>
    %slice3A_584 = vector.extract_strided_slice %get3A_1 {offsets = [0, 56320], sizes = [16, 1024], strides = [1, 1]} : vector<16x65536xf32> to vector<16x1024xf32>
    %dot_general3A_585 = arith.constant dense<0.000000e+00> : vector<1024x128xf32>
    %dot_general3A_586 = tpu.matmul %slice3A_584, %convert_element_type3A_583, %dot_general3A_585 {dimension_numbers = #tpu.dot_dimension_numbers<[0], [0], [1], [1], [0, 1, 1, 1], [], []>, transpose_lhs_hint = false} : vector<16x1024xf32>, vector<16x128xf32>, vector<1024x128xf32> -> vector<1024x128xf32>
    %add3A_587 = arith.addf %add3A_577, %dot_general3A_586 : vector<1024x128xf32>
    %swap3A_588 = arith.constant 6144 : index
    %swap3A_589 = arith.constant 0 : index
    %swap3A_590 = vector.load %arg2[%swap3A_588, %swap3A_589] : memref<8192x128xf32, #tpu.memory_space<vmem>>, vector<1024x128xf32>
    tpu.vector_store %arg2[%swap3A_588, %swap3A_589], %add3A_587 {strides = array<i32>} : memref<8192x128xf32, #tpu.memory_space<vmem>>, vector<1024x128xf32>,
    %broadcast_in_dim3A_591 = arith.constant 0.000000e+00 : f32
    %broadcast_in_dim3A_592 = vector.broadcast %broadcast_in_dim3A_591 : f32 to vector<1024x128xf32>
    %add3A_593 = arith.constant 0 : i32
    %add3A_594 = vector.broadcast %add3A_593 : i32 to vector<16x128xi32>
    %add3A_595 = arith.addi %iota3A, %add3A_594 : vector<16x128xi32>
    %eq3A_596 = arith.cmpi eq, %iota3A_2, %add3A_595 : vector<16x128xi32>
    %convert_element_type3A_597 = arith.extui %eq3A_596 : vector<16x128xi1> to vector<16x128xi32>
    %convert_element_type3A_598 = arith.sitofp %convert_element_type3A_597 : vector<16x128xi32> to vector<16x128xf32>
    %slice3A_599 = vector.extract_strided_slice %get3A_1 {offsets = [0, 57344], sizes = [16, 1024], strides = [1, 1]} : vector<16x65536xf32> to vector<16x1024xf32>
    %dot_general3A_600 = arith.constant dense<0.000000e+00> : vector<1024x128xf32>
    %dot_general3A_601 = tpu.matmul %slice3A_599, %convert_element_type3A_598, %dot_general3A_600 {dimension_numbers = #tpu.dot_dimension_numbers<[0], [0], [1], [1], [0, 1, 1, 1], [], []>, transpose_lhs_hint = false} : vector<16x1024xf32>, vector<16x128xf32>, vector<1024x128xf32> -> vector<1024x128xf32>
    %add3A_602 = arith.addf %broadcast_in_dim3A_592, %dot_general3A_601 : vector<1024x128xf32>
    %add3A_603 = arith.constant 16 : i32
    %add3A_604 = vector.broadcast %add3A_603 : i32 to vector<16x128xi32>
    %add3A_605 = arith.addi %iota3A, %add3A_604 : vector<16x128xi32>
    %eq3A_606 = arith.cmpi eq, %iota3A_2, %add3A_605 : vector<16x128xi32>
    %convert_element_type3A_607 = arith.extui %eq3A_606 : vector<16x128xi1> to vector<16x128xi32>
    %convert_element_type3A_608 = arith.sitofp %convert_element_type3A_607 : vector<16x128xi32> to vector<16x128xf32>
    %slice3A_609 = vector.extract_strided_slice %get3A_1 {offsets = [0, 58368], sizes = [16, 1024], strides = [1, 1]} : vector<16x65536xf32> to vector<16x1024xf32>
    %dot_general3A_610 = arith.constant dense<0.000000e+00> : vector<1024x128xf32>
    %dot_general3A_611 = tpu.matmul %slice3A_609, %convert_element_type3A_608, %dot_general3A_610 {dimension_numbers = #tpu.dot_dimension_numbers<[0], [0], [1], [1], [0, 1, 1, 1], [], []>, transpose_lhs_hint = false} : vector<16x1024xf32>, vector<16x128xf32>, vector<1024x128xf32> -> vector<1024x128xf32>
    %add3A_612 = arith.addf %add3A_602, %dot_general3A_611 : vector<1024x128xf32>
    %add3A_613 = arith.constant 32 : i32
    %add3A_614 = vector.broadcast %add3A_613 : i32 to vector<16x128xi32>
    %add3A_615 = arith.addi %iota3A, %add3A_614 : vector<16x128xi32>
    %eq3A_616 = arith.cmpi eq, %iota3A_2, %add3A_615 : vector<16x128xi32>
    %convert_element_type3A_617 = arith.extui %eq3A_616 : vector<16x128xi1> to vector<16x128xi32>
    %convert_element_type3A_618 = arith.sitofp %convert_element_type3A_617 : vector<16x128xi32> to vector<16x128xf32>
    %slice3A_619 = vector.extract_strided_slice %get3A_1 {offsets = [0, 59392], sizes = [16, 1024], strides = [1, 1]} : vector<16x65536xf32> to vector<16x1024xf32>
    %dot_general3A_620 = arith.constant dense<0.000000e+00> : vector<1024x128xf32>
    %dot_general3A_621 = tpu.matmul %slice3A_619, %convert_element_type3A_618, %dot_general3A_620 {dimension_numbers = #tpu.dot_dimension_numbers<[0], [0], [1], [1], [0, 1, 1, 1], [], []>, transpose_lhs_hint = false} : vector<16x1024xf32>, vector<16x128xf32>, vector<1024x128xf32> -> vector<1024x128xf32>
    %add3A_622 = arith.addf %add3A_612, %dot_general3A_621 : vector<1024x128xf32>
    %add3A_623 = arith.constant 48 : i32
    %add3A_624 = vector.broadcast %add3A_623 : i32 to vector<16x128xi32>
    %add3A_625 = arith.addi %iota3A, %add3A_624 : vector<16x128xi32>
    %eq3A_626 = arith.cmpi eq, %iota3A_2, %add3A_625 : vector<16x128xi32>
    %convert_element_type3A_627 = arith.extui %eq3A_626 : vector<16x128xi1> to vector<16x128xi32>
    %convert_element_type3A_628 = arith.sitofp %convert_element_type3A_627 : vector<16x128xi32> to vector<16x128xf32>
    %slice3A_629 = vector.extract_strided_slice %get3A_1 {offsets = [0, 60416], sizes = [16, 1024], strides = [1, 1]} : vector<16x65536xf32> to vector<16x1024xf32>
    %dot_general3A_630 = arith.constant dense<0.000000e+00> : vector<1024x128xf32>
    %dot_general3A_631 = tpu.matmul %slice3A_629, %convert_element_type3A_628, %dot_general3A_630 {dimension_numbers = #tpu.dot_dimension_numbers<[0], [0], [1], [1], [0, 1, 1, 1], [], []>, transpose_lhs_hint = false} : vector<16x1024xf32>, vector<16x128xf32>, vector<1024x128xf32> -> vector<1024x128xf32>
    %add3A_632 = arith.addf %add3A_622, %dot_general3A_631 : vector<1024x128xf32>
    %add3A_633 = arith.constant 64 : i32
    %add3A_634 = vector.broadcast %add3A_633 : i32 to vector<16x128xi32>
    %add3A_635 = arith.addi %iota3A, %add3A_634 : vector<16x128xi32>
    %eq3A_636 = arith.cmpi eq, %iota3A_2, %add3A_635 : vector<16x128xi32>
    %convert_element_type3A_637 = arith.extui %eq3A_636 : vector<16x128xi1> to vector<16x128xi32>
    %convert_element_type3A_638 = arith.sitofp %convert_element_type3A_637 : vector<16x128xi32> to vector<16x128xf32>
    %slice3A_639 = vector.extract_strided_slice %get3A_1 {offsets = [0, 61440], sizes = [16, 1024], strides = [1, 1]} : vector<16x65536xf32> to vector<16x1024xf32>
    %dot_general3A_640 = arith.constant dense<0.000000e+00> : vector<1024x128xf32>
    %dot_general3A_641 = tpu.matmul %slice3A_639, %convert_element_type3A_638, %dot_general3A_640 {dimension_numbers = #tpu.dot_dimension_numbers<[0], [0], [1], [1], [0, 1, 1, 1], [], []>, transpose_lhs_hint = false} : vector<16x1024xf32>, vector<16x128xf32>, vector<1024x128xf32> -> vector<1024x128xf32>
    %add3A_642 = arith.addf %add3A_632, %dot_general3A_641 : vector<1024x128xf32>
    %add3A_643 = arith.constant 80 : i32
    %add3A_644 = vector.broadcast %add3A_643 : i32 to vector<16x128xi32>
    %add3A_645 = arith.addi %iota3A, %add3A_644 : vector<16x128xi32>
    %eq3A_646 = arith.cmpi eq, %iota3A_2, %add3A_645 : vector<16x128xi32>
    %convert_element_type3A_647 = arith.extui %eq3A_646 : vector<16x128xi1> to vector<16x128xi32>
    %convert_element_type3A_648 = arith.sitofp %convert_element_type3A_647 : vector<16x128xi32> to vector<16x128xf32>
    %slice3A_649 = vector.extract_strided_slice %get3A_1 {offsets = [0, 62464], sizes = [16, 1024], strides = [1, 1]} : vector<16x65536xf32> to vector<16x1024xf32>
    %dot_general3A_650 = arith.constant dense<0.000000e+00> : vector<1024x128xf32>
    %dot_general3A_651 = tpu.matmul %slice3A_649, %convert_element_type3A_648, %dot_general3A_650 {dimension_numbers = #tpu.dot_dimension_numbers<[0], [0], [1], [1], [0, 1, 1, 1], [], []>, transpose_lhs_hint = false} : vector<16x1024xf32>, vector<16x128xf32>, vector<1024x128xf32> -> vector<1024x128xf32>
    %add3A_652 = arith.addf %add3A_642, %dot_general3A_651 : vector<1024x128xf32>
    %add3A_653 = arith.constant 96 : i32
    %add3A_654 = vector.broadcast %add3A_653 : i32 to vector<16x128xi32>
    %add3A_655 = arith.addi %iota3A, %add3A_654 : vector<16x128xi32>
    %eq3A_656 = arith.cmpi eq, %iota3A_2, %add3A_655 : vector<16x128xi32>
    %convert_element_type3A_657 = arith.extui %eq3A_656 : vector<16x128xi1> to vector<16x128xi32>
    %convert_element_type3A_658 = arith.sitofp %convert_element_type3A_657 : vector<16x128xi32> to vector<16x128xf32>
    %slice3A_659 = vector.extract_strided_slice %get3A_1 {offsets = [0, 63488], sizes = [16, 1024], strides = [1, 1]} : vector<16x65536xf32> to vector<16x1024xf32>
    %dot_general3A_660 = arith.constant dense<0.000000e+00> : vector<1024x128xf32>
    %dot_general3A_661 = tpu.matmul %slice3A_659, %convert_element_type3A_658, %dot_general3A_660 {dimension_numbers = #tpu.dot_dimension_numbers<[0], [0], [1], [1], [0, 1, 1, 1], [], []>, transpose_lhs_hint = false} : vector<16x1024xf32>, vector<16x128xf32>, vector<1024x128xf32> -> vector<1024x128xf32>
    %add3A_662 = arith.addf %add3A_652, %dot_general3A_661 : vector<1024x128xf32>
    %add3A_663 = arith.constant 112 : i32
    %add3A_664 = vector.broadcast %add3A_663 : i32 to vector<16x128xi32>
    %add3A_665 = arith.addi %iota3A, %add3A_664 : vector<16x128xi32>
    %eq3A_666 = arith.cmpi eq, %iota3A_2, %add3A_665 : vector<16x128xi32>
    %convert_element_type3A_667 = arith.extui %eq3A_666 : vector<16x128xi1> to vector<16x128xi32>
    %convert_element_type3A_668 = arith.sitofp %convert_element_type3A_667 : vector<16x128xi32> to vector<16x128xf32>
    %slice3A_669 = vector.extract_strided_slice %get3A_1 {offsets = [0, 64512], sizes = [16, 1024], strides = [1, 1]} : vector<16x65536xf32> to vector<16x1024xf32>
    %dot_general3A_670 = arith.constant dense<0.000000e+00> : vector<1024x128xf32>
    %dot_general3A_671 = tpu.matmul %slice3A_669, %convert_element_type3A_668, %dot_general3A_670 {dimension_numbers = #tpu.dot_dimension_numbers<[0], [0], [1], [1], [0, 1, 1, 1], [], []>, transpose_lhs_hint = false} : vector<16x1024xf32>, vector<16x128xf32>, vector<1024x128xf32> -> vector<1024x128xf32>
    %add3A_672 = arith.addf %add3A_662, %dot_general3A_671 : vector<1024x128xf32>
    %swap3A_673 = arith.constant 7168 : index
    %swap3A_674 = arith.constant 0 : index
    %swap3A_675 = vector.load %arg2[%swap3A_673, %swap3A_674] : memref<8192x128xf32, #tpu.memory_space<vmem>>, vector<1024x128xf32>
    tpu.vector_store %arg2[%swap3A_673, %swap3A_674], %add3A_672 {strides = array<i32>} : memref<8192x128xf32, #tpu.memory_space<vmem>>, vector<1024x128xf32>,
    return
  }
  func.func @transform_0(%arg0: i32) -> (i32, i32) {
    %c0_i32 = arith.constant 0 : i32
    %c0_i32_0 = arith.constant 0 : i32
    return %c0_i32, %arg0 : i32, i32
  }
  func.func @transform_1(%arg0: i32) -> (i32, i32) {
    %c0_i32 = arith.constant 0 : i32
    %c0_i32_0 = arith.constant 0 : i32
    return %arg0, %c0_i32 : i32, i32
  }
}

module attributes {stable_mosaic.version = 14 : i64} {
  func.func @_mlp_body(%arg0: i32, %arg1: memref<1024x416xf32, #tpu.memory_space<vmem>>, %arg2: memref<416x64xf32, #tpu.memory_space<vmem>>, %arg3: memref<1x64xf32, #tpu.memory_space<vmem>>, %arg4: memref<1x64xf32, #tpu.memory_space<vmem>>, %arg5: memref<1x64xf32, #tpu.memory_space<vmem>>, %arg6: memref<64x32xf32, #tpu.memory_space<vmem>>, %arg7: memref<1x32xf32, #tpu.memory_space<vmem>>, %arg8: memref<1x32xf32, #tpu.memory_space<vmem>>, %arg9: memref<1x32xf32, #tpu.memory_space<vmem>>, %arg10: memref<32x1xf32, #tpu.memory_space<vmem>>, %arg11: memref<1x1xf32, #tpu.memory_space<vmem>>, %arg12: memref<16384x1xf32, #tpu.memory_space<vmem>>, %arg13: memref<16384x64xf32, #tpu.memory_space<vmem>>, %arg14: memref<16384x32xf32, #tpu.memory_space<vmem>>, %arg15: memref<1x64xf32, #tpu.memory_space<vmem>>, %arg16: memref<1x64xf32, #tpu.memory_space<vmem>>) attributes {dimension_semantics = [#tpu.dimension_semantics<arbitrary>], iteration_bounds = array<i64: 16>, scalar_prefetch = 0 : i64, scratch_operands = 4 : i64, tpu.core_type = #tpu.core_type<tc>, window_params = [{transform_indices = @transform_0, window_bounds = array<i64: 1024, 416>}, {pipeline_mode = #tpu.pipeline_mode<synchronous>, transform_indices = @transform_1, window_bounds = array<i64: 416, 64>}, {pipeline_mode = #tpu.pipeline_mode<synchronous>, transform_indices = @transform_2, window_bounds = array<i64: 1, 64>}, {pipeline_mode = #tpu.pipeline_mode<synchronous>, transform_indices = @transform_3, window_bounds = array<i64: 1, 64>}, {pipeline_mode = #tpu.pipeline_mode<synchronous>, transform_indices = @transform_4, window_bounds = array<i64: 1, 64>}, {pipeline_mode = #tpu.pipeline_mode<synchronous>, transform_indices = @transform_5, window_bounds = array<i64: 64, 32>}, {pipeline_mode = #tpu.pipeline_mode<synchronous>, transform_indices = @transform_6, window_bounds = array<i64: 1, 32>}, {pipeline_mode = #tpu.pipeline_mode<synchronous>, transform_indices = @transform_7, window_bounds = array<i64: 1, 32>}, {pipeline_mode = #tpu.pipeline_mode<synchronous>, transform_indices = @transform_8, window_bounds = array<i64: 1, 32>}, {pipeline_mode = #tpu.pipeline_mode<synchronous>, transform_indices = @transform_9, window_bounds = array<i64: 32, 1>}, {pipeline_mode = #tpu.pipeline_mode<synchronous>, transform_indices = @transform_10, window_bounds = array<i64: 1, 1>}, {pipeline_mode = #tpu.pipeline_mode<synchronous>, transform_indices = @transform_11, window_bounds = array<i64: 16384, 1>}]} {
    %get3A = arith.constant 0 : index
    %get3A_0 = arith.constant 0 : index
    %get3A_1 = vector.load %arg1[%get3A, %get3A_0] : memref<1024x416xf32, #tpu.memory_space<vmem>>, vector<1024x416xf32>
    %get3A_2 = arith.constant 0 : index
    %get3A_3 = arith.constant 0 : index
    %get3A_4 = vector.load %arg2[%get3A_2, %get3A_3] : memref<416x64xf32, #tpu.memory_space<vmem>>, vector<416x64xf32>
    %dot_general3A = arith.constant dense<0.000000e+00> : vector<1024x64xf32>
    %dot_general3A_5 = tpu.matmul %get3A_1, %get3A_4, %dot_general3A {dimension_numbers = #tpu.dot_dimension_numbers<[1], [0], [0], [1], [0, 0, 1, 1], [], []>, transpose_lhs_hint = false} : vector<1024x416xf32>, vector<416x64xf32>, vector<1024x64xf32> -> vector<1024x64xf32>
    %get3A_6 = arith.constant 0 : index
    %get3A_7 = arith.constant 0 : index
    %get3A_8 = vector.load %arg3[%get3A_6, %get3A_7] : memref<1x64xf32, #tpu.memory_space<vmem>>, vector<1x64xf32>
    %add3A = vector.broadcast %get3A_8 : vector<1x64xf32> to vector<1024x64xf32>
    %add3A_9 = arith.addf %dot_general3A_5, %add3A : vector<1024x64xf32>
    %mul3A = arith.constant 1024 : i32
    %mul3A_10 = arith.muli %arg0, %mul3A : i32
    %swap3A = arith.index_cast %mul3A_10 : i32 to index
    %swap3A_11 = arith.constant 0 : index
    %swap3A_12 = vector.load %arg13[%swap3A, %swap3A_11] : memref<16384x64xf32, #tpu.memory_space<vmem>>, vector<1024x64xf32>
    tpu.vector_store %arg13[%swap3A, %swap3A_11], %add3A_9 {strides = array<i32>} : memref<16384x64xf32, #tpu.memory_space<vmem>>, vector<1024x64xf32>,
    %eq3A = arith.constant 0 : i32
    %eq3A_13 = arith.cmpi eq, %arg0, %eq3A : i32
    %convert_element_type3A = arith.extui %eq3A_13 : i1 to i32
    %cond3A = arith.constant 0 : i32
    %cond3A_14 = arith.cmpi ne, %convert_element_type3A, %cond3A : i32
    scf.if %cond3A_14 {
      %broadcast_in_dim3A_39 = arith.constant 0.000000e+00 : f32
      %broadcast_in_dim3A_40 = vector.broadcast %broadcast_in_dim3A_39 : f32 to vector<1x64xf32>
      %swap3A_41 = arith.constant 0 : index
      %swap3A_42 = arith.constant 0 : index
      %swap3A_43 = vector.load %arg15[%swap3A_41, %swap3A_42] : memref<1x64xf32, #tpu.memory_space<vmem>>, vector<1x64xf32>
      tpu.vector_store %arg15[%swap3A_41, %swap3A_42], %broadcast_in_dim3A_40 {strides = array<i32>} : memref<1x64xf32, #tpu.memory_space<vmem>>, vector<1x64xf32>,
      %broadcast_in_dim3A_44 = arith.constant 0.000000e+00 : f32
      %broadcast_in_dim3A_45 = vector.broadcast %broadcast_in_dim3A_44 : f32 to vector<1x64xf32>
      %swap3A_46 = arith.constant 0 : index
      %swap3A_47 = arith.constant 0 : index
      %swap3A_48 = vector.load %arg16[%swap3A_46, %swap3A_47] : memref<1x64xf32, #tpu.memory_space<vmem>>, vector<1x64xf32>
      tpu.vector_store %arg16[%swap3A_46, %swap3A_47], %broadcast_in_dim3A_45 {strides = array<i32>} : memref<1x64xf32, #tpu.memory_space<vmem>>, vector<1x64xf32>,
    } else {
    }
    %get3A_15 = arith.constant 0 : index
    %get3A_16 = arith.constant 0 : index
    %get3A_17 = vector.load %arg15[%get3A_15, %get3A_16] : memref<1x64xf32, #tpu.memory_space<vmem>>, vector<1x64xf32>
    %reduce_sum3A = arith.constant dense<0.000000e+00> : vector<64xf32>
    %reduce_sum3A_18 = vector.multi_reduction <add>, %add3A_9, %reduce_sum3A [0] : vector<1024x64xf32> to vector<64xf32>
    %broadcast_in_dim3A = vector.shape_cast %reduce_sum3A_18 : vector<64xf32> to vector<1x64xf32>
    %add3A_19 = arith.addf %get3A_17, %broadcast_in_dim3A : vector<1x64xf32>
    %swap3A_20 = arith.constant 0 : index
    %swap3A_21 = arith.constant 0 : index
    %swap3A_22 = vector.load %arg15[%swap3A_20, %swap3A_21] : memref<1x64xf32, #tpu.memory_space<vmem>>, vector<1x64xf32>
    tpu.vector_store %arg15[%swap3A_20, %swap3A_21], %add3A_19 {strides = array<i32>} : memref<1x64xf32, #tpu.memory_space<vmem>>, vector<1x64xf32>,
    %get3A_23 = arith.constant 0 : index
    %get3A_24 = arith.constant 0 : index
    %get3A_25 = vector.load %arg16[%get3A_23, %get3A_24] : memref<1x64xf32, #tpu.memory_space<vmem>>, vector<1x64xf32>
    %mul3A_26 = arith.mulf %add3A_9, %add3A_9 : vector<1024x64xf32>
    %reduce_sum3A_27 = arith.constant dense<0.000000e+00> : vector<64xf32>
    %reduce_sum3A_28 = vector.multi_reduction <add>, %mul3A_26, %reduce_sum3A_27 [0] : vector<1024x64xf32> to vector<64xf32>
    %broadcast_in_dim3A_29 = vector.shape_cast %reduce_sum3A_28 : vector<64xf32> to vector<1x64xf32>
    %add3A_30 = arith.addf %get3A_25, %broadcast_in_dim3A_29 : vector<1x64xf32>
    %swap3A_31 = arith.constant 0 : index
    %swap3A_32 = arith.constant 0 : index
    %swap3A_33 = vector.load %arg16[%swap3A_31, %swap3A_32] : memref<1x64xf32, #tpu.memory_space<vmem>>, vector<1x64xf32>
    tpu.vector_store %arg16[%swap3A_31, %swap3A_32], %add3A_30 {strides = array<i32>} : memref<1x64xf32, #tpu.memory_space<vmem>>, vector<1x64xf32>,
    %eq3A_34 = arith.constant 15 : i32
    %eq3A_35 = arith.cmpi eq, %arg0, %eq3A_34 : i32
    %convert_element_type3A_36 = arith.extui %eq3A_35 : i1 to i32
    %cond3A_37 = arith.constant 0 : i32
    %cond3A_38 = arith.cmpi ne, %convert_element_type3A_36, %cond3A_37 : i32
    scf.if %cond3A_38 {
      %get3A_39 = arith.constant 0 : index
      %get3A_40 = arith.constant 0 : index
      %get3A_41 = vector.load %arg15[%get3A_39, %get3A_40] : memref<1x64xf32, #tpu.memory_space<vmem>>, vector<1x64xf32>
      %mul3A_42 = arith.constant 6.10351563E-5 : f32
      %mul3A_43 = vector.broadcast %mul3A_42 : f32 to vector<1x64xf32>
      %mul3A_44 = arith.mulf %get3A_41, %mul3A_43 : vector<1x64xf32>
      %get3A_45 = arith.constant 0 : index
      %get3A_46 = arith.constant 0 : index
      %get3A_47 = vector.load %arg16[%get3A_45, %get3A_46] : memref<1x64xf32, #tpu.memory_space<vmem>>, vector<1x64xf32>
      %mul3A_48 = arith.constant 6.10351563E-5 : f32
      %mul3A_49 = vector.broadcast %mul3A_48 : f32 to vector<1x64xf32>
      %mul3A_50 = arith.mulf %get3A_47, %mul3A_49 : vector<1x64xf32>
      %mul3A_51 = arith.mulf %mul3A_44, %mul3A_44 : vector<1x64xf32>
      %sub3A = arith.subf %mul3A_50, %mul3A_51 : vector<1x64xf32>
      %add3A_52 = arith.constant 9.99999974E-6 : f32
      %add3A_53 = vector.broadcast %add3A_52 : f32 to vector<1x64xf32>
      %add3A_54 = arith.addf %sub3A, %add3A_53 : vector<1x64xf32>
      %rsqrt3A = math.rsqrt %add3A_54 : vector<1x64xf32>
      %get3A_55 = arith.constant 0 : index
      %get3A_56 = arith.constant 0 : index
      %get3A_57 = vector.load %arg4[%get3A_55, %get3A_56] : memref<1x64xf32, #tpu.memory_space<vmem>>, vector<1x64xf32>
      %mul3A_58 = arith.mulf %rsqrt3A, %get3A_57 : vector<1x64xf32>
      %broadcast_in_dim3A_59 = arith.constant 0.000000e+00 : f32
      %broadcast_in_dim3A_60 = vector.broadcast %broadcast_in_dim3A_59 : f32 to vector<1x32xf32>
      %broadcast_in_dim3A_61 = arith.constant 0.000000e+00 : f32
      %broadcast_in_dim3A_62 = vector.broadcast %broadcast_in_dim3A_61 : f32 to vector<1x32xf32>
      %scan3A = arith.constant 0 : i32
      %scan3A_63 = arith.constant 16 : i32
      %scan3A_64 = arith.addi %scan3A, %scan3A_63 : i32
      %scan3A_65 = arith.constant 1 : i32
      %scan3A_66:2 = scf.for %scan3A_89 = %scan3A to %scan3A_64 step %scan3A_65 iter_args(%scan3A_90 = %broadcast_in_dim3A_60, %scan3A_91 = %broadcast_in_dim3A_62) -> (vector<1x32xf32>, vector<1x32xf32>)  : i32 {
        %mul3A_92 = arith.constant 1024 : i32
        %mul3A_93 = arith.muli %scan3A_89, %mul3A_92 : i32
        %get3A_94 = arith.index_cast %mul3A_93 : i32 to index
        %get3A_95 = arith.constant 0 : index
        %get3A_96 = vector.load %arg13[%get3A_94, %get3A_95] : memref<16384x64xf32, #tpu.memory_space<vmem>>, vector<1024x64xf32>
        %sub3A_97 = vector.broadcast %mul3A_44 : vector<1x64xf32> to vector<1024x64xf32>
        %sub3A_98 = arith.subf %get3A_96, %sub3A_97 : vector<1024x64xf32>
        %mul3A_99 = vector.broadcast %mul3A_58 : vector<1x64xf32> to vector<1024x64xf32>
        %mul3A_100 = arith.mulf %sub3A_98, %mul3A_99 : vector<1024x64xf32>
        %get3A_101 = arith.constant 0 : index
        %get3A_102 = arith.constant 0 : index
        %get3A_103 = vector.load %arg5[%get3A_101, %get3A_102] : memref<1x64xf32, #tpu.memory_space<vmem>>, vector<1x64xf32>
        %add3A_104 = vector.broadcast %get3A_103 : vector<1x64xf32> to vector<1024x64xf32>
        %add3A_105 = arith.addf %mul3A_100, %add3A_104 : vector<1024x64xf32>
        %max3A = arith.constant 0.000000e+00 : f32
        %max3A_106 = vector.broadcast %max3A : f32 to vector<1024x64xf32>
        %max3A_107 = arith.maximumf %add3A_105, %max3A_106 : vector<1024x64xf32>
        %get3A_108 = arith.constant 0 : index
        %get3A_109 = arith.constant 0 : index
        %get3A_110 = vector.load %arg6[%get3A_108, %get3A_109] : memref<64x32xf32, #tpu.memory_space<vmem>>, vector<64x32xf32>
        %dot_general3A_111 = arith.constant dense<0.000000e+00> : vector<1024x32xf32>
        %dot_general3A_112 = tpu.matmul %max3A_107, %get3A_110, %dot_general3A_111 {dimension_numbers = #tpu.dot_dimension_numbers<[1], [0], [0], [1], [0, 0, 1, 1], [], []>, transpose_lhs_hint = false} : vector<1024x64xf32>, vector<64x32xf32>, vector<1024x32xf32> -> vector<1024x32xf32>
        %get3A_113 = arith.constant 0 : index
        %get3A_114 = arith.constant 0 : index
        %get3A_115 = vector.load %arg7[%get3A_113, %get3A_114] : memref<1x32xf32, #tpu.memory_space<vmem>>, vector<1x32xf32>
        %add3A_116 = vector.broadcast %get3A_115 : vector<1x32xf32> to vector<1024x32xf32>
        %add3A_117 = arith.addf %dot_general3A_112, %add3A_116 : vector<1024x32xf32>
        %mul3A_118 = arith.constant 1024 : i32
        %mul3A_119 = arith.muli %scan3A_89, %mul3A_118 : i32
        %swap3A_120 = arith.index_cast %mul3A_119 : i32 to index
        %swap3A_121 = arith.constant 0 : index
        %swap3A_122 = vector.load %arg14[%swap3A_120, %swap3A_121] : memref<16384x32xf32, #tpu.memory_space<vmem>>, vector<1024x32xf32>
        tpu.vector_store %arg14[%swap3A_120, %swap3A_121], %add3A_117 {strides = array<i32>} : memref<16384x32xf32, #tpu.memory_space<vmem>>, vector<1024x32xf32>,
        %reduce_sum3A_123 = arith.constant dense<0.000000e+00> : vector<32xf32>
        %reduce_sum3A_124 = vector.multi_reduction <add>, %add3A_117, %reduce_sum3A_123 [0] : vector<1024x32xf32> to vector<32xf32>
        %broadcast_in_dim3A_125 = vector.shape_cast %reduce_sum3A_124 : vector<32xf32> to vector<1x32xf32>
        %add3A_126 = arith.addf %scan3A_90, %broadcast_in_dim3A_125 : vector<1x32xf32>
        %mul3A_127 = arith.mulf %add3A_117, %add3A_117 : vector<1024x32xf32>
        %reduce_sum3A_128 = arith.constant dense<0.000000e+00> : vector<32xf32>
        %reduce_sum3A_129 = vector.multi_reduction <add>, %mul3A_127, %reduce_sum3A_128 [0] : vector<1024x32xf32> to vector<32xf32>
        %broadcast_in_dim3A_130 = vector.shape_cast %reduce_sum3A_129 : vector<32xf32> to vector<1x32xf32>
        %add3A_131 = arith.addf %scan3A_91, %broadcast_in_dim3A_130 : vector<1x32xf32>
        scf.yield %add3A_126, %add3A_131 : vector<1x32xf32>, vector<1x32xf32>
      }
      %scan3A_67 = arith.constant 16 : i32
      %mul3A_68 = arith.constant 6.10351563E-5 : f32
      %mul3A_69 = vector.broadcast %mul3A_68 : f32 to vector<1x32xf32>
      %mul3A_70 = arith.mulf %scan3A_66#0, %mul3A_69 : vector<1x32xf32>
      %mul3A_71 = arith.constant 6.10351563E-5 : f32
      %mul3A_72 = vector.broadcast %mul3A_71 : f32 to vector<1x32xf32>
      %mul3A_73 = arith.mulf %scan3A_66#1, %mul3A_72 : vector<1x32xf32>
      %mul3A_74 = arith.mulf %mul3A_70, %mul3A_70 : vector<1x32xf32>
      %sub3A_75 = arith.subf %mul3A_73, %mul3A_74 : vector<1x32xf32>
      %add3A_76 = arith.constant 9.99999974E-6 : f32
      %add3A_77 = vector.broadcast %add3A_76 : f32 to vector<1x32xf32>
      %add3A_78 = arith.addf %sub3A_75, %add3A_77 : vector<1x32xf32>
      %rsqrt3A_79 = math.rsqrt %add3A_78 : vector<1x32xf32>
      %get3A_80 = arith.constant 0 : index
      %get3A_81 = arith.constant 0 : index
      %get3A_82 = vector.load %arg8[%get3A_80, %get3A_81] : memref<1x32xf32, #tpu.memory_space<vmem>>, vector<1x32xf32>
      %mul3A_83 = arith.mulf %rsqrt3A_79, %get3A_82 : vector<1x32xf32>
      %scan3A_84 = arith.constant 0 : i32
      %scan3A_85 = arith.constant 16 : i32
      %scan3A_86 = arith.addi %scan3A_84, %scan3A_85 : i32
      %scan3A_87 = arith.constant 1 : i32
      scf.for %scan3A_89 = %scan3A_84 to %scan3A_86 step %scan3A_87  : i32 {
        %mul3A_90 = arith.constant 1024 : i32
        %mul3A_91 = arith.muli %scan3A_89, %mul3A_90 : i32
        %get3A_92 = arith.index_cast %mul3A_91 : i32 to index
        %get3A_93 = arith.constant 0 : index
        %get3A_94 = vector.load %arg14[%get3A_92, %get3A_93] : memref<16384x32xf32, #tpu.memory_space<vmem>>, vector<1024x32xf32>
        %sub3A_95 = vector.broadcast %mul3A_70 : vector<1x32xf32> to vector<1024x32xf32>
        %sub3A_96 = arith.subf %get3A_94, %sub3A_95 : vector<1024x32xf32>
        %mul3A_97 = vector.broadcast %mul3A_83 : vector<1x32xf32> to vector<1024x32xf32>
        %mul3A_98 = arith.mulf %sub3A_96, %mul3A_97 : vector<1024x32xf32>
        %get3A_99 = arith.constant 0 : index
        %get3A_100 = arith.constant 0 : index
        %get3A_101 = vector.load %arg9[%get3A_99, %get3A_100] : memref<1x32xf32, #tpu.memory_space<vmem>>, vector<1x32xf32>
        %add3A_102 = vector.broadcast %get3A_101 : vector<1x32xf32> to vector<1024x32xf32>
        %add3A_103 = arith.addf %mul3A_98, %add3A_102 : vector<1024x32xf32>
        %max3A = arith.constant 0.000000e+00 : f32
        %max3A_104 = vector.broadcast %max3A : f32 to vector<1024x32xf32>
        %max3A_105 = arith.maximumf %add3A_103, %max3A_104 : vector<1024x32xf32>
        %get3A_106 = arith.constant 0 : index
        %get3A_107 = arith.constant 0 : index
        %get3A_108 = vector.load %arg10[%get3A_106, %get3A_107] : memref<32x1xf32, #tpu.memory_space<vmem>>, vector<32x1xf32>
        %dot_general3A_109 = arith.constant dense<0.000000e+00> : vector<1024x1xf32>
        %dot_general3A_110 = tpu.matmul %max3A_105, %get3A_108, %dot_general3A_109 {dimension_numbers = #tpu.dot_dimension_numbers<[1], [0], [0], [1], [0, 0, 1, 1], [], []>, transpose_lhs_hint = false} : vector<1024x32xf32>, vector<32x1xf32>, vector<1024x1xf32> -> vector<1024x1xf32>
        %get3A_111 = arith.constant 0 : index
        %get3A_112 = arith.constant 0 : index
        %get3A_113 = vector.load %arg11[%get3A_111, %get3A_112] : memref<1x1xf32, #tpu.memory_space<vmem>>, vector<1x1xf32>
        %add3A_114 = vector.broadcast %get3A_113 : vector<1x1xf32> to vector<1024x1xf32>
        %add3A_115 = arith.addf %dot_general3A_110, %add3A_114 : vector<1024x1xf32>
        %neg3A = arith.constant 0.000000e+00 : f32
        %neg3A_116 = vector.broadcast %neg3A : f32 to vector<1024x1xf32>
        %neg3A_117 = arith.subf %neg3A_116, %add3A_115 : vector<1024x1xf32>
        %exp3A = math.exp %neg3A_117 : vector<1024x1xf32>
        %add3A_118 = arith.constant 1.000000e+00 : f32
        %add3A_119 = vector.broadcast %add3A_118 : f32 to vector<1024x1xf32>
        %add3A_120 = arith.addf %add3A_119, %exp3A : vector<1024x1xf32>
        %div3A = arith.constant 1.000000e+00 : f32
        %div3A_121 = vector.broadcast %div3A : f32 to vector<1024x1xf32>
        %div3A_122 = arith.divf %div3A_121, %add3A_120 : vector<1024x1xf32>
        %mul3A_123 = arith.constant 1024 : i32
        %mul3A_124 = arith.muli %scan3A_89, %mul3A_123 : i32
        %swap3A_125 = arith.index_cast %mul3A_124 : i32 to index
        %swap3A_126 = arith.constant 0 : index
        %swap3A_127 = vector.load %arg12[%swap3A_125, %swap3A_126] : memref<16384x1xf32, #tpu.memory_space<vmem>>, vector<1024x1xf32>
        tpu.vector_store %arg12[%swap3A_125, %swap3A_126], %div3A_122 {strides = array<i32>} : memref<16384x1xf32, #tpu.memory_space<vmem>>, vector<1024x1xf32>,
      }
      %scan3A_88 = arith.constant 16 : i32
    } else {
    }
    return
  }
  func.func @transform_0(%arg0: i32) -> (i32, i32) {
    %c0_i32 = arith.constant 0 : i32
    %c0_i32_0 = arith.constant 0 : i32
    return %arg0, %c0_i32 : i32, i32
  }
  func.func @transform_1(%arg0: i32) -> (i32, i32) {
    %c0_i32 = arith.constant 0 : i32
    %c0_i32_0 = arith.constant 0 : i32
    %c0_i32_1 = arith.constant 0 : i32
    return %c0_i32, %c0_i32_0 : i32, i32
  }
  func.func @transform_2(%arg0: i32) -> (i32, i32) {
    %c0_i32 = arith.constant 0 : i32
    %c0_i32_0 = arith.constant 0 : i32
    %c0_i32_1 = arith.constant 0 : i32
    return %c0_i32, %c0_i32_0 : i32, i32
  }
  func.func @transform_3(%arg0: i32) -> (i32, i32) {
    %c0_i32 = arith.constant 0 : i32
    %c0_i32_0 = arith.constant 0 : i32
    %c0_i32_1 = arith.constant 0 : i32
    return %c0_i32, %c0_i32_0 : i32, i32
  }
  func.func @transform_4(%arg0: i32) -> (i32, i32) {
    %c0_i32 = arith.constant 0 : i32
    %c0_i32_0 = arith.constant 0 : i32
    %c0_i32_1 = arith.constant 0 : i32
    return %c0_i32, %c0_i32_0 : i32, i32
  }
  func.func @transform_5(%arg0: i32) -> (i32, i32) {
    %c0_i32 = arith.constant 0 : i32
    %c0_i32_0 = arith.constant 0 : i32
    %c0_i32_1 = arith.constant 0 : i32
    return %c0_i32, %c0_i32_0 : i32, i32
  }
  func.func @transform_6(%arg0: i32) -> (i32, i32) {
    %c0_i32 = arith.constant 0 : i32
    %c0_i32_0 = arith.constant 0 : i32
    %c0_i32_1 = arith.constant 0 : i32
    return %c0_i32, %c0_i32_0 : i32, i32
  }
  func.func @transform_7(%arg0: i32) -> (i32, i32) {
    %c0_i32 = arith.constant 0 : i32
    %c0_i32_0 = arith.constant 0 : i32
    %c0_i32_1 = arith.constant 0 : i32
    return %c0_i32, %c0_i32_0 : i32, i32
  }
  func.func @transform_8(%arg0: i32) -> (i32, i32) {
    %c0_i32 = arith.constant 0 : i32
    %c0_i32_0 = arith.constant 0 : i32
    %c0_i32_1 = arith.constant 0 : i32
    return %c0_i32, %c0_i32_0 : i32, i32
  }
  func.func @transform_9(%arg0: i32) -> (i32, i32) {
    %c0_i32 = arith.constant 0 : i32
    %c0_i32_0 = arith.constant 0 : i32
    %c0_i32_1 = arith.constant 0 : i32
    return %c0_i32, %c0_i32_0 : i32, i32
  }
  func.func @transform_10(%arg0: i32) -> (i32, i32) {
    %c0_i32 = arith.constant 0 : i32
    %c0_i32_0 = arith.constant 0 : i32
    %c0_i32_1 = arith.constant 0 : i32
    return %c0_i32, %c0_i32_0 : i32, i32
  }
  func.func @transform_11(%arg0: i32) -> (i32, i32) {
    %c0_i32 = arith.constant 0 : i32
    %c0_i32_0 = arith.constant 0 : i32
    %c0_i32_1 = arith.constant 0 : i32
    return %c0_i32, %c0_i32_0 : i32, i32
  }
}

</mosaic_0001>

<sc_bundles>
// kernel: kernel.5.cloned.1.call-start
scs
__scs_entry_jumppad:
0x0: {  	(pc) =	sbr.rel $0x88, $3  }
0x1: {  	(tag) =	ssettag $0x0;
	lr =	simm.s32 $0x1  }
0x2: {  	[smem:$0x3F95] =	sst lr;
	_ =	strace $0xD0000000  }
0x3: {  	_ = 	snop  }
0x4: {  	_ = 	snop  }
0x5: {  	_ = 	snop  }
0x6: {  	_ = 	snop  }
0x7: {  	_ = 	snop  }
__scs_overlays_trampoline_lowered:
0x8: {  	[smem:$0x3FA4] =	sst s0  }
0x9: {  	[smem:$0x3FA5] =	sst s1  }
0xa: {  	[smem:$0x3FA6] =	sst s2  }
0xb: {  	[smem:$0x3FA7] =	sst s3  }
0xc: {  	[smem:$0x3FA8] =	sst s4  }
0xd: {  	[smem:$0x3FA9] =	sst s5  }
0xe: {  	[smem:$0x3FAA] =	sst s6  }
0xf: {  	[smem:$0x3FAB] =	sst s7  }
0x10: {  	[smem:$0x3FAC] =	sst s8  }
0x11: {  	[smem:$0x3FAD] =	sst s9;
	s0 =	simm.s32 @!p0 $0x0  }
0x12: {  	s1 =	sld [smem:$0x3F93];
	s0 =	simm.s32 @p0 $0x1  }
0x13: {  	[smem:$0x3FAE] =	sst s0;
	s0 =	simm.s32 @!p1 $0x0  }
0x14: {  	s2 =	sld [smem:$0x3F92];
	s0 =	simm.s32 @p1 $0x1  }
0x15: {  	[smem:$0x3FAF] =	sst s0;
	s0 =	simm.s32 @!p2 $0x0  }
0x16: {  	s3 =	sld [smem:$0x3FDB];
	s0 =	simm.s32 @p2 $0x1  }
0x17: {  	s4 =	simm.s32 $0x1BF5;
	[smem:$0x3FB1] =	sst s0  }
0x18: {  	s0 =	sld [smem:$0x3F94];
	_ =	swait.ge [sflag:s4], $0x0  }
0x19: {  	s7 =	sld [smem:$0x3F95]  }
0x1a: {  	s8 =	sadd.s32 $0xFFFFE003, lr  }
0x1b: {  	s9 =	sadd.s32 $0xFFFFFEF7, lr;
	s5 =	simm.s32 $0xFFFFFFFF;
	p2 =	slt.u32 s8, $0xFFFFF086  }
0x1c: {  	p1 =	slt.u32 s9, $0xF7A;
	s5 =	simm.s32 @!p2 $0x0  }
0x1d: {  	s5 =	simm.s32 @p1 $0x1;
	p0 =	seq.s32 s7, s2  }
0x1e: {  	s7 =	smul.u32 @!p0 $0xF7A, s2;
	p2 =	seq.s32 @!p0 s5, $0x0  }
0x1f: {  	s9 =	smul.u32 $0xF7A, s1;
	s8 =	simm.s32 @!p0 $0x1BF5;
	p2 =	por !p2, p0  }
0x20: {  	[sflag:s8] =	ssyncset.s32 @!p0 $0xFFFFF086;
	s6 =	sadd.s32 @!p0 s3, s7;
	s7 =	simm.s32 @!p0 $0x108  }
0x21: {  	s3 =	sadd.s32 s3, s9;
	s6 =	sadd.s32 @!p0 $0x88, s6;
	s7 =	simm.s32 @p2 $0x1082  }
0x22: {  	[simem:s7], [sflag:s8] =	dma.local @!p0 [hbm:s6], $0xF7A  }
0x23: {  	s9 =	sor.u32 $0xD0000000, s2;
	s6 =	simm.s32 $0x108;
	_ =	swait.ge @!p0 [sflag:s8], $0x0  }
0x24: {  	s3 =	sadd.s32 $0x88, s3;
	s6 =	simm.s32 @!p1 $0x1082;
	[sflag:s4] =	ssyncset.s32 $0xFFFFF086  }
0x25: {  	[simem:s6], [sflag:s4] =	dma.local [hbm:s3], $0xF7A  }
0x26: {  	[smem:$0x3F95] =	sst s1;
	(tag) =	ssettag s2;
	_ =	strace s9  }
0x27: {  	s1 =	sld [smem:$0x3FA5]  }
0x28: {  	s2 =	sld [smem:$0x3FA6]  }
0x29: {  	s4 =	sld [smem:$0x3FA8]  }
0x2a: {  	p0 =	seq.s32 s5, $0x0;
	s5 =	sld [smem:$0x3FA9]  }
0x2b: {  	s6 =	sld [smem:$0x3FAA]  }
0x2c: {  	s7 =	sld [smem:$0x3FAB]  }
0x2d: {  	s3 =	simm.s32 $0x108;
	s8 =	sld [smem:$0x3FAC]  }
0x2e: {  	s3 =	simm.s32 @!p0 $0x1082;
	s9 =	sld [smem:$0x3FAD]  }
0x2f: {  	lr =	sadd.s32 s0, s3;
	s0 =	sld [smem:$0x3FA4]  }
0x30: {  	s3 =	sld [smem:$0x3FA7]  }
0x31: {  	[smem:$0x3FB0] =	sst s10  }
0x32: {  	s10 =	sld [smem:$0x3FAE];
	_ =	sdelay $0x3  }
0x33: {  	p0 =	seq.s32 s10, $0x1;
	s10 =	sld [smem:$0x3FB0];
	_ =	sdelay $0x3  }
0x34: {  	[smem:$0x3FB0] =	sst s10  }
0x35: {  	s10 =	sld [smem:$0x3FAF];
	_ =	sdelay $0x3  }
0x36: {  	p1 =	seq.s32 s10, $0x1;
	s10 =	sld [smem:$0x3FB0];
	_ =	sdelay $0x3  }
0x37: {  	[smem:$0x3FB0] =	sst s10  }
0x38: {  	s10 =	sld [smem:$0x3FB1]  }
0x39: {  	_ = 	snop;
	(pc) =	sbr.ind lr, $3  }
0x3a: {  	_ = 	snop  }
0x3b: {  	_ = 	snop  }
0x3c: {  	p2 =	seq.s32 s10, $0x1;
	s10 =	sld [smem:$0x3FB0]  }
0x3d: {  	_ =	shalt  }
0x3e: {  	_ =	shalt  }
0x3f: {  	_ =	shalt  }
0x40: {  	_ =	shalt  }
0x41: {  	_ =	shalt  }
0x42: {  	_ =	shalt  }
0x43: {  	_ =	shalt  }
0x44: {  	_ =	shalt  }
0x45: {  	_ =	shalt  }
0x46: {  	_ =	shalt  }
0x47: {  	_ =	shalt  }
0x48: {  	_ =	shalt  }
0x49: {  	_ =	shalt  }
0x4a: {  	_ =	shalt  }
0x4b: {  	_ =	shalt  }
0x4c: {  	_ =	shalt  }
0x4d: {  	_ =	shalt  }
0x4e: {  	_ =	shalt  }
0x4f: {  	_ =	shalt  }
0x50: {  	_ =	shalt  }
0x51: {  	_ =	shalt  }
0x52: {  	_ =	shalt  }
0x53: {  	_ =	shalt  }
0x54: {  	_ =	shalt  }
0x55: {  	_ =	shalt  }
0x56: {  	_ =	shalt  }
0x57: {  	_ =	shalt  }
0x58: {  	_ =	shalt  }
0x59: {  	_ =	shalt  }
0x5a: {  	_ =	shalt  }
0x5b: {  	_ =	shalt  }
0x5c: {  	_ =	shalt  }
0x5d: {  	_ =	shalt  }
0x5e: {  	_ =	shalt  }
0x5f: {  	_ =	shalt  }
0x60: {  	_ =	shalt  }
0x61: {  	_ =	shalt  }
0x62: {  	_ =	shalt  }
0x63: {  	_ =	shalt  }
0x64: {  	_ =	shalt  }
0x65: {  	_ =	shalt  }
0x66: {  	_ =	shalt  }
0x67: {  	_ =	shalt  }
0x68: {  	_ =	shalt  }
0x69: {  	_ =	shalt  }
0x6a: {  	_ =	shalt  }
0x6b: {  	_ =	shalt  }
0x6c: {  	_ =	shalt  }
0x6d: {  	_ =	shalt  }
0x6e: {  	_ =	shalt  }
0x6f: {  	_ =	shalt  }
0x70: {  	_ =	shalt  }
0x71: {  	_ =	shalt  }
0x72: {  	_ =	shalt  }
0x73: {  	_ =	shalt  }
0x74: {  	_ =	shalt  }
0x75: {  	_ =	shalt  }
0x76: {  	_ =	shalt  }
0x77: {  	_ =	shalt  }
0x78: {  	_ =	shalt  }
0x79: {  	_ =	shalt  }
0x7a: {  	_ =	shalt  }
0x7b: {  	_ =	shalt  }
0x7c: {  	_ =	shalt  }
0x7d: {  	_ =	shalt  }
0x7e: {  	_ =	shalt  }
0x7f: {  	_ =	shalt  }
0x80: {  	_ =	shalt  }
0x81: {  	_ =	shalt  }
0x82: {  	_ =	shalt  }
0x83: {  	_ =	shalt  }
0x84: {  	_ =	shalt  }
0x85: {  	_ =	shalt  }
0x86: {  	_ =	shalt  }
0x87: {  	_ =	shalt  }
.Lfunc_end0:
.L_simem_size_0:
called_computation_lowered:
.L_overlay_start_0:
0x88: {  	s2 =	sld [smem:$0x3FD9]  }
0x89: {  	s3 =	sld [smem:$0x3FFE];
	_ =	sdelay $0x1  }
0x8a: {  	s1 =	srdreg.scid  }
0x8b: {  	s0 =	sand.u32 $0x1, s1  }
0x8c: {  	s17 =	sshll.u32 s0, $0xA;
	s2 =	sadd.s32 s3, s2  }
0x8d: {  	s2 =	sadd.s32 s2, s17  }
0x8e: {  	[smem:$0x3FBC] =	sst s2  }
0x8f: {  	_ = 	snop  }
0x90: {  	s2 =	sld [smem:$0x3FD0];
	(tm) =	ssettm $0x1  }
0x91: {  	s18 =	sld [smem:$0x3FFB];
	_ =	sdelay $0x3  }
0x92: {  	_ =	strace s18  }
0x93: {  	s3 =	sld [smem:$0x3FFC];
	_ =	sdelay $0x3  }
0x94: {  	_ =	strace s3  }
0x95: {  	s3 =	sld [smem:$0x3FFD];
	_ =	sdelay $0x3  }
0x96: {  	_ =	strace s3  }
0x97: {  	_ =	strace $0x8FFFFFFF  }
0x98: {  	s19 =	sld [smem:$0x3FDB];
	_ =	sdelay $0x1  }
0x99: {  	s4 =	simm.s32 $_scs_section_size  }
0x9a: {  	s5 =	simm.s32 $_size__tile_overlayer_lowered;
	s6 =	simm.s32 $_tile_overlayer_lowered  }
0x9b: {  	s22 =	simm.s32 $0x1BFF;
	s21 =	sshll.u32 s6, $0x1;
	s3 =	sadd.s32 s4, s19  }
0x9c: {  	s7 =	simm.s32 $0x0;
	s20 =	sshll.u32 s5, $0x1;
	s5 =	sadd.s32 s21, s3  }
0x9d: {  	[timem:s7], [sflag:s22] =	dma.local [hbm:s5], s20  }
0x9e: {  	_ =	swait.ge [sflag:s22], s20  }
0x9f: {  	s4 =	ssub.s32 $0x0, s20;
	[sflag:s22] =	ssyncset.done $0x0  }
0xa0: {  	[sflag:s22] =	ssyncadd.s32 s4;
	_ =	sdelay $0x1  }
0xa1: {  	s23 =	simm.s32 $0x1B8B  }
0xa2: {  	_ =	swait.ge [sflag:s23], $0x1  }
0xa3: {  	[sflag:s23] =	ssyncset.done $0x0  }
0xa4: {  	s25 =	simm.s32 $0x1B8E;
	s24 =	sld [smem:$0x3FFE];
	[sflag:s23] =	ssyncadd.s32 $0xFFFFFFFF  }
0xa5: {  	s26 =	simm.s32 $execute0_lowered;
	[smem:$0x3FD2] =	sst s25  }
0xa6: {  	s5 =	sshll.u32 s26, $0x1;
	_ =	strace $0x80000046;
	[dreg:$0x1] =	wrdreg $0xFFFFFFFF  }
0xa7: {  	s28 =	simm.s32 $_size_execute0_lowered;
	s3 =	sadd.s32 s3, s5;
	[dreg:$0x0] =	wrdreg $0x0  }
0xa8: {  	s5 =	sshll.u32 s28, $0x1;
	[dreg:$0x2] =	wrdreg s3  }
0xa9: {  	[dreg:$0x3] =	wrdreg s5  }
0xaa: {  	[dreg:$0x4] =	wrdreg $0xC0  }
0xab: {  	_ =	task [dreg:s7], $0x5FFFF  }
0xac: {  	[dreg:$0x1] =	wrdreg $0xFFFFFFFF  }
0xad: {  	[dreg:$0x0] =	wrdreg $0x60  }
0xae: {  	[dreg:$0x2] =	wrdreg s24  }
0xaf: {  	[dreg:$0x3] =	wrdreg s2  }
0xb0: {  	[dreg:$0x4] =	wrdreg $0x9  }
0xb1: {  	_ =	task.clear_ibuf [dreg:s7], $0x5FFFF;
	_ =	strace $0x90000046  }
0xb2: {  	s29 =	simm.s32 $0x9;
	_ =	strace $0x80000048  }
0xb3: {  	_ =	swait.ge [sflag:s29], $0x1  }
0xb4: {  	[sflag:s29] =	ssyncadd.s32 $0xFFFFFFFF  }
0xb5: {  	_ =	strace $0x90000048  }
0xb6: {  	_ =	sfence  }
0xb7: {  	s30 =	sld [smem:$0x0];
	_ =	sdelay $0x2  }
0xb8: {  	s31 =	sshll.u32 s1, $0xD;
	s1 =	sshrl.u32 s1, $0x2  }
0xb9: {  	s3 =	sand.u32 $0x4000, s31;
	s1 =	sadd.s32 s1, s30  }
0xba: {  	s0 =	sor.u32 s3, s0;
	s1 =	sshll.u32 s1, $0x11  }
0xbb: {  	s0 =	sor.u32 s1, s0  }
0xbc: {  	s0 =	sadd.s32 $0x8F2B, s0  }
0xbd: {  	[sflag:s0] =	ssyncadd.remote.s32 $0x1  }
0xbe: {  	_ =	sfence.sel $0xFFFF  }
0xbf: {  	[dreg:$0x0] =	wrdreg $0xFFFFFFFF;
	(pc) =	sbr.abs _section_cstart, $3  }
0xc0: {  	[dreg:$0x1] =	wrdreg $0xFFFFFFFF  }
0xc1: {  	_ =	task.clear_ibuf [dreg:s7], $0x2FFFF;
	_ =	strace $0x9FFFFFFF  }
0xc2: {  	(tm) =	ssettm $0x7FFFFFFF  }
0xc3: {  	_ =	shalt  }
tec
execute0_lowered:
.L_overlay_start_1:
0x0: {  	(tag) =	ssettag $0x1  }
0x1: {  	s1 =	srdreg.scid;
	s5 =	rddreg [dreg:$0x0]  }
0x2: {  	s0 =	stileid.u32;
	s2 =	rddreg [dreg:$0x1];
	s3 =	simm.s32 $0x0  }
0x3: {  	s15 =	simm.s32 $0x3400;
	s16 =	simm.s32 $0x2;
	s17 =	simm.s32 $0x680  }
0x4: {  	s18 =	simm.s32 $0x35A0;
	s19 =	simm.s32 $0x1;
	s20 =	simm.s32 $0xD00  }
0x5: {  	s21 =	simm.s32 $0x1380;
	s22 =	simm.s32 $0x1A00;
	s23 =	simm.s32 $0x2080  }
0x6: {  	s24 =	simm.s32 $0x2700;
	s6 =	sand.u32 $0x1, s1;
	s30 =	sshll.u32 s0, $0x1  }
0x7: {  	s25 =	simm.s32 $0x2D80;
	s1 =	rddreg [dreg:$0x2];
	s7 =	sor.u32 s6, s30  }
0x8: {  	s26 =	simm.s32 $0x0;
	[smem:$0x7FF] =	sst s3;
	s4 =	smul.u32 $0x680, s7  }
0x9: {  	s10 =	sadd.s32 $0x50E600, s5;
	s31 =	ssub.s32 $0x2, s6;
	s9 =	smul.u32 $0x34000, s7  }
0xa: {  	_ =	strace $0x80000047;
	s6 =	sshrl.u32 s31, $0x1;
	s7 =	smul.u32 $0x6800, s7  }
0xb: {  	s14 =	ssub.s32 s31, s6;
	s8 =	sadd.s32 s4, s5;
	s9 =	sshrl.u32 s9, $0x3  }
0xc: {  	s4 =	sadd.s32 $0x1600, s5;
	s6 =	sadd.s32 s10, s7;
	s13 =	sadd.s32 s10, s9  }
0xd: {  	s14 =	smax.u32 s14, $0x1;
	s5 =	sadd.s32 $0x501600, s8;
	s7 =	sadd.s32 $0xD00, s13  }
0xe: {  	s8 =	sadd.s32 $0x1A00, s13;
	s9 =	sadd.s32 $0x2700, s13;
	s10 =	sadd.s32 $0x3400, s13  }
0xf: {  	s11 =	sadd.s32 $0x4100, s13;
	s12 =	sadd.s32 $0x4E00, s13;
	s13 =	sadd.s32 $0x5B00, s13  }
.LBB2_1:
0x10: {  	[tilespmem:s15], [sflag:$0x2] =	stream.linear.gather [hbm4b:s2+s3], $0x1A0, $0x38;
	[tilespmem:$0x9DA0] =	vst v63  }
0x11: {  	s28 =	smul.u32 $0x4EC5, s3  }
0x12: {  	_ =	swait.ge [sflag:s16], $0x1A0  }
0x13: {  	[sflag:s16] =	ssyncset.done $0x0;
	s28 =	sshrl.u32 s28, $0x13  }
0x14: {  	[sflag:s16] =	ssyncadd.s32 $0xFFFFFE60;
	s28 =	smul.u32 $0x1A, s28  }
0x15: {  	[tilespmem:s3], [sflag:$0x2] =	stream.linear.gather [hbm4b:s5+s3], $0x3400, $0x38;
	[tilespmem:$0x9DA0] =	vst v63  }
0x16: {  	_ =	swait.ge [sflag:s16], $0x3400;
	s28 =	ssub.s32 $0x0, s28  }
0x17: {  	[sflag:s16] =	ssyncset.done $0x0;
	s28 =	sand.u32 $0xFCBF, s28  }
0x18: {  	[sflag:s16] =	ssyncadd.s32 $0xFFFFCC00;
	s28 =	sshll.u32 s28, $0x4  }
0x19: {  	v0 =	vld [tilespmem:s28+$0x3400]  }
0x1a: {  	v1 =	vld [tilespmem:s3+$0x0];
	_ =	sdelay $0x1  }
0x1b: {  	s29 =	simm.s32 $0x1  }
0x1c: {  	s31 =	smul.u32 $0x4EC5, s29  }
0x1d: {  	s30 =	simm.s32 $0x2;
	s28 =	simm.s32 $0x0  }
.LBB2_2:
0x1e: {  	p0 =	sne.s32 s30, $0x33F;
	s31 =	sshrl.u32 s31, $0x13;
	v0 =	vadd.s32 v1, v0  }
0x1f: {  	s31 =	smul.u32 $0x1A, s31;
	v1 =	vshll.u32 v0, $0x3  }
0x20: {  	v2 =	vand.u32 $0xFFFFE000, v0;
	v0 =	vshrl.u32 v0, $0xA;
	v1 =	vand.u32 $0x1FF8, v1  }
0x21: {  	v0 =	vand.u32 $0x7, v0;
	s31 =	ssub.s32 s29, s31;
	v1 =	vor.u32 v2, v1;
	s29 =	smov.u32 s30  }
0x22: {  	s31 =	sand.u32 $0xFCBF, s31;
	v0 =	vor.u32 v0, v1  }
0x23: {  	s31 =	sshll.u32 s31, $0x4;
	[tilespmem:s28+$0x0] =	vst v0  }
0x24: {  	s28 =	sadd.s32 $0x10, s28;
	v0 =	vld [tilespmem:s31+$0x3400]  }
.Ltmp0:
0x25: {  	v1 =	vld [tilespmem:s28+$0x0];
	(pc) =	sbr.rel @p0 .LBB2_2-.Ltmp0, $3  }
0x26: {  	_ =	sdelay $0x1  }
0x27: {  	s31 =	smul.u32 $0x4EC5, s30  }
0x28: {  	s30 =	sadd.s32 $0x1, s30  }
0x29: {  	s30 =	sshrl.u32 s31, $0x13;
	v0 =	vadd.s32 v1, v0  }
0x2a: {  	s30 =	smul.u32 $0x1A, s30;
	v1 =	vshll.u32 v0, $0x3  }
0x2b: {  	v2 =	vand.u32 $0xFFFFE000, v0;
	v0 =	vshrl.u32 v0, $0xA;
	v1 =	vand.u32 $0x1FF8, v1  }
0x2c: {  	v0 =	vand.u32 $0x7, v0;
	s29 =	ssub.s32 s29, s30;
	v1 =	vor.u32 v2, v1  }
0x2d: {  	s29 =	sand.u32 $0xFCBF, s29;
	v0 =	vor.u32 v0, v1  }
0x2e: {  	s29 =	sshll.u32 s29, $0x4;
	[tilespmem:s28+$0x0] =	vst v0  }
0x2f: {  	s31 =	sadd.s32 $0x10, s28;
	v0 =	vld [tilespmem:s29+$0x3400]  }
0x30: {  	v62 =	vld [tilespmem:s31+$0x0];
	_ =	sdelay $0x4  }
0x31: {  	v0 =	vadd.s32 v62, v0  }
0x32: {  	v1 =	vshll.u32 v0, $0x3  }
0x33: {  	v63 =	vand.u32 $0xFFFFE000, v0;
	v0 =	vshrl.u32 v0, $0xA;
	v1 =	vand.u32 $0x1FF8, v1  }
0x34: {  	v0 =	vand.u32 $0x7, v0;
	v1 =	vor.u32 v63, v1  }
0x35: {  	v0 =	vor.u32 v0, v1  }
0x36: {  	[tilespmem:s31+$0x0] =	vst v0  }
0x37: {  	[tilespmem:s18], [sflag:$0x1] =	stream.indirect.gather [hbm4b:s4+s17], $0x10, s3, s17, $0xb8;
	[tilespmem:$0x9DA0] =	vst v63  }
0x38: {  	_ =	swait.ge [sflag:s19], $0x6800  }
0x39: {  	[sflag:s19] =	ssyncset.done $0x0  }
0x3a: {  	[sflag:s19] =	ssyncadd.s32 $0xFFFF9800  }
0x3b: {  	[hbm4b:s6+s3] =	stream.linear.scatter [tilespmem:s18], [sflag:$0x2], $0x6800, $0x38;
	[tilespmem:$0x9DA0] =	vst v63  }
0x3c: {  	_ =	swait.ge [sflag:s16], $0x6800  }
0x3d: {  	[sflag:s16] =	ssyncset.done $0x0  }
0x3e: {  	[sflag:s16] =	ssyncadd.s32 $0xFFFF9800  }
0x3f: {  	[tilespmem:s18], [sflag:$0x1] =	stream.indirect.gather [hbm4b:s4+s17], $0x10, s17, s17, $0xb8;
	[tilespmem:$0x9DA0] =	vst v63  }
0x40: {  	_ =	swait.ge [sflag:s19], $0x6800  }
0x41: {  	[sflag:s19] =	ssyncset.done $0x0  }
0x42: {  	[sflag:s19] =	ssyncadd.s32 $0xFFFF9800  }
0x43: {  	[hbm4b:s7+s3] =	stream.linear.scatter [tilespmem:s18], [sflag:$0x2], $0x6800, $0x38;
	[tilespmem:$0x9DA0] =	vst v63  }
0x44: {  	_ =	swait.ge [sflag:s16], $0x6800  }
0x45: {  	[sflag:s16] =	ssyncset.done $0x0  }
0x46: {  	[sflag:s16] =	ssyncadd.s32 $0xFFFF9800  }
0x47: {  	[tilespmem:s18], [sflag:$0x1] =	stream.indirect.gather [hbm4b:s4+s17], $0x10, s20, s17, $0xb8;
	[tilespmem:$0x9DA0] =	vst v63  }
0x48: {  	_ =	swait.ge [sflag:s19], $0x6800  }
0x49: {  	[sflag:s19] =	ssyncset.done $0x0  }
0x4a: {  	[sflag:s19] =	ssyncadd.s32 $0xFFFF9800  }
0x4b: {  	[hbm4b:s8+s3] =	stream.linear.scatter [tilespmem:s18], [sflag:$0x2], $0x6800, $0x38;
	[tilespmem:$0x9DA0] =	vst v63  }
0x4c: {  	_ =	swait.ge [sflag:s16], $0x6800  }
0x4d: {  	[sflag:s16] =	ssyncset.done $0x0  }
0x4e: {  	[sflag:s16] =	ssyncadd.s32 $0xFFFF9800  }
0x4f: {  	[tilespmem:s18], [sflag:$0x1] =	stream.indirect.gather [hbm4b:s4+s17], $0x10, s21, s17, $0xb8;
	[tilespmem:$0x9DA0] =	vst v63  }
0x50: {  	_ =	swait.ge [sflag:s19], $0x6800  }
0x51: {  	[sflag:s19] =	ssyncset.done $0x0  }
0x52: {  	[sflag:s19] =	ssyncadd.s32 $0xFFFF9800  }
0x53: {  	[hbm4b:s9+s3] =	stream.linear.scatter [tilespmem:s18], [sflag:$0x2], $0x6800, $0x38;
	[tilespmem:$0x9DA0] =	vst v63  }
0x54: {  	_ =	swait.ge [sflag:s16], $0x6800  }
0x55: {  	[sflag:s16] =	ssyncset.done $0x0  }
0x56: {  	[sflag:s16] =	ssyncadd.s32 $0xFFFF9800  }
0x57: {  	[tilespmem:s18], [sflag:$0x1] =	stream.indirect.gather [hbm4b:s4+s17], $0x10, s22, s17, $0xb8;
	[tilespmem:$0x9DA0] =	vst v63  }
0x58: {  	_ =	swait.ge [sflag:s19], $0x6800  }
0x59: {  	[sflag:s19] =	ssyncset.done $0x0  }
0x5a: {  	[sflag:s19] =	ssyncadd.s32 $0xFFFF9800  }
0x5b: {  	[hbm4b:s10+s3] =	stream.linear.scatter [tilespmem:s18], [sflag:$0x2], $0x6800, $0x38;
	[tilespmem:$0x9DA0] =	vst v63  }
0x5c: {  	_ =	swait.ge [sflag:s16], $0x6800  }
0x5d: {  	[sflag:s16] =	ssyncset.done $0x0  }
0x5e: {  	[sflag:s16] =	ssyncadd.s32 $0xFFFF9800  }
0x5f: {  	[tilespmem:s18], [sflag:$0x1] =	stream.indirect.gather [hbm4b:s4+s17], $0x10, s23, s17, $0xb8;
	[tilespmem:$0x9DA0] =	vst v63  }
0x60: {  	_ =	swait.ge [sflag:s19], $0x6800  }
0x61: {  	[sflag:s19] =	ssyncset.done $0x0  }
0x62: {  	[sflag:s19] =	ssyncadd.s32 $0xFFFF9800  }
0x63: {  	[hbm4b:s11+s3] =	stream.linear.scatter [tilespmem:s18], [sflag:$0x2], $0x6800, $0x38;
	[tilespmem:$0x9DA0] =	vst v63  }
0x64: {  	_ =	swait.ge [sflag:s16], $0x6800  }
0x65: {  	[sflag:s16] =	ssyncset.done $0x0  }
0x66: {  	[sflag:s16] =	ssyncadd.s32 $0xFFFF9800  }
0x67: {  	[tilespmem:s18], [sflag:$0x1] =	stream.indirect.gather [hbm4b:s4+s17], $0x10, s24, s17, $0xb8;
	[tilespmem:$0x9DA0] =	vst v63  }
0x68: {  	_ =	swait.ge [sflag:s19], $0x6800  }
0x69: {  	[sflag:s19] =	ssyncset.done $0x0  }
0x6a: {  	[sflag:s19] =	ssyncadd.s32 $0xFFFF9800  }
0x6b: {  	[hbm4b:s12+s3] =	stream.linear.scatter [tilespmem:s18], [sflag:$0x2], $0x6800, $0x38;
	[tilespmem:$0x9DA0] =	vst v63  }
0x6c: {  	_ =	swait.ge [sflag:s16], $0x6800  }
0x6d: {  	[sflag:s16] =	ssyncset.done $0x0  }
0x6e: {  	[sflag:s16] =	ssyncadd.s32 $0xFFFF9800  }
0x6f: {  	[tilespmem:s18], [sflag:$0x1] =	stream.indirect.gather [hbm4b:s4+s17], $0x10, s25, s17, $0xb8;
	[tilespmem:$0x9DA0] =	vst v63  }
0x70: {  	s26 =	sadd.s32 $0x1, s26;
	_ =	swait.ge [sflag:s19], $0x6800  }
0x71: {  	p0 =	sne.s32 s26, s14;
	[sflag:s19] =	ssyncset.done $0x0  }
.Ltmp1:
0x72: {  	[sflag:s19] =	ssyncadd.s32 $0xFFFF9800;
	(pc) =	sbr.rel @p0 .LBB2_1-.Ltmp1, $4  }
0x73: {  	[hbm4b:s13+s3] =	stream.linear.scatter [tilespmem:s18], [sflag:$0x2], $0x6800, $0x38;
	[tilespmem:$0x9DA0] =	vst v63  }
0x74: {  	_ =	swait.ge [sflag:s16], $0x6800  }
0x75: {  	[sflag:s16] =	ssyncset.done $0x0  }
0x76: {  	[sflag:s16] =	ssyncadd.s32 $0xFFFF9800  }
0x77: {  	_ =	sfence.sel $0x180000  }
0x78: {  	[bflag:$0x0] =	sbarrier.arrive $0xFFFF  }
0x79: {  	p0 =	sne.s32 s0, $0x0;
	_ =	strace $0x90000047  }
0x7a: {  	s0 =	sadd.s32 @!p0 $0x100000, s1;
	[bflag:$0x2] =	sbarrier.arrive $0xFFFF  }
0x7b: {  	[sflag:s0] =	ssyncadd.tile.s32 @!p0 $0x1;
	_ =	shalt  }
.Lfunc_end2:
_tile_overlayer_lowered:
.L_overlay_start_2:
0x7c: {  	(tag) =	ssettag $0x2  }
0x7d: {  	s0 =	rddreg [dreg:$0x0];
	s2 =	stileid.u32  }
0x7e: {  	s1 =	rddreg [dreg:$0x1];
	p0 =	sne.s32 s2, $0x0  }
0x7f: {  	s3 =	rddreg [dreg:$0x2];
	[bflag:$0x3] =	sbarrier.arrive $0xFFFF;
	s2 =	simm.s32 @!p0 $0x1C02  }
0x80: {  	[timem:s3], [sflag:s2] =	dma.local @!p0 [hbm:s0], s1  }
0x81: {  	s0 =	simm.s32 @!p0 $0x2  }
0x82: {  	_ =	swait.ge @!p0 [sflag:s0], s1  }
0x83: {  	s1 =	ssub.s32 @!p0 $0x0, s1;
	[sflag:s0] =	ssyncset.done @!p0 $0x0  }
0x84: {  	[sflag:s0] =	ssyncadd.s32 @!p0 s1  }
0x85: {  	[bflag:$0x3] =	sbarrier.arrive $0xFFFF  }
0x86: {  	_ =	shalt  }

</sc_bundles>
